<compile_context>
chip_gen: v7x
topology: tpu7x:2x2x1
jax: 0.10.2.dev20260603
libtpu: 0.0.44.dev20260713+nightly
codegen_flags: <defaults>
</compile_context>

<pallas_src>
import functools

import jax
import jax.numpy as jnp
from jax import lax
from jax.experimental import pallas as pl
from jax.experimental.pallas import tpu as pltpu
from jax.experimental.pallas import tpu_sc as plsc

NUM_FIELDS = 26
EMBED_DIM = 32
BATCH = 16384
N = BATCH * NUM_FIELDS
PERIOD = 208
NC, NS = 2, 16
NW = NC * NS
PER_W = N // NW
GROUP = 128
G_PER_W = PER_W // GROUP
K = 8
ROUNDS = G_PER_W // K


def _emb_body(idx_hbm, offs_hbm, table_hbm, out_hbm, idx_v, pat_v, rows_v, gsem):
    wid = lax.axis_index("s") * NC + lax.axis_index("c")
    base = wid * PER_W

    pltpu.sync_copy(offs_hbm, pat_v)
    pltpu.sync_copy(idx_hbm.at[pl.ds(base, PER_W)], idx_v)

    def add_body(o, carry):
        t0 = o * PERIOD
        for j in range(PERIOD // 16):
            sl = pl.ds(t0 + 16 * j, 16)
            idx_v[sl] = idx_v[sl] + pat_v[pl.ds(16 * j, 16)]
        return carry

    lax.fori_loop(0, PER_W // PERIOD, add_body, 0)

    def round_body(rd, carry):
        g0 = rd * K
        copies = []
        for s in range(K):
            src = table_hbm.at[idx_v.at[pl.ds((g0 + s) * GROUP, GROUP)]]
            copies.append(pltpu.async_copy(src, rows_v.at[s], gsem))
        for cp in copies:
            cp.wait()
        for s in range(K):
            dst = out_hbm.at[pl.ds(base + (g0 + s) * GROUP, GROUP)]
            pltpu.sync_copy(rows_v.at[s], dst)
        return carry

    lax.fori_loop(0, ROUNDS, round_body, 0)


def kernel(batch, offsets, table):
    flat_idx = batch.astype(jnp.int32).reshape(N)
    offs_tiled = jnp.tile(offsets.astype(jnp.int32), PERIOD // NUM_FIELDS)

    mesh = plsc.VectorSubcoreMesh(core_axis_name="c", subcore_axis_name="s")
    run = functools.partial(
        pl.kernel,
        mesh=mesh,
        out_type=jax.ShapeDtypeStruct((N, EMBED_DIM), jnp.float32),
        scratch_types=[
            pltpu.VMEM((PER_W,), jnp.int32),
            pltpu.VMEM((PERIOD,), jnp.int32),
            pltpu.VMEM((K, GROUP, EMBED_DIM), jnp.float32),
            pltpu.SemaphoreType.DMA,
        ],
        compiler_params=pltpu.CompilerParams(use_tc_tiling_on_sc=False),
    )(_emb_body)
    out_flat = run(flat_idx, offs_tiled, table)
    return out_flat.reshape(BATCH, NUM_FIELDS, EMBED_DIM)

# --- scband reference (transcript-rebuilt; emitter-appended) ---
"""Pipeline reference for scband-entity-embedding-batch3-7490422964808 (READ-ONLY COPY).

The authoritative reference and input builder live on the scoring server;
editing this copy changes nothing except your own understanding.
"""

import jax, jax.numpy as jnp
import numpy as np

NUM_FIELDS = 26
VOCAB_PER_FIELD = 100000
EMBED_DIM = 32
BATCH = 16384


def setup_inputs(seed: int = 0) -> dict:
    key = jax.random.key(seed)
    k1, k2 = jax.random.split(key)
    batch = jax.random.randint(k1, (BATCH, NUM_FIELDS), 0, VOCAB_PER_FIELD, dtype=jnp.int64 if jax.config.read('jax_enable_x64') else jnp.int32)
    col_dims = jnp.full((NUM_FIELDS,), VOCAB_PER_FIELD, dtype=jnp.int32)
    offsets = jnp.concatenate([jnp.zeros((1,), dtype=jnp.int32), jnp.cumsum(col_dims[:-1])]).astype(jnp.int32)
    total_dim = NUM_FIELDS * VOCAB_PER_FIELD
    table = jax.random.normal(k2, (total_dim, EMBED_DIM), dtype=jnp.float32)
    return {"batch": batch, "offsets": offsets, "table": table}


def reference(batch, offsets, table):
    # glob_batch = batch + per-column offsets; gather rows from flat table
    glob_batch = batch.astype(jnp.int32) + offsets[None, :]
    return jnp.take(table, glob_batch, axis=0)

if __name__ == "__main__":
    import jax
    _d = setup_inputs()
    print(jax.jit(kernel)(*tuple(_d.values())))

</pallas_src>

<mosaic_0001>
#map = affine_map<(d0, d1) -> (0)>
#map1 = affine_map<(d0, d1) -> (0, 0)>
module attributes {stable_mosaic.version = 14 : i64} {
  func.func @_emb_body(%arg0: i32, %arg1: i32, %arg2: memref<425984xi32, #tpu.memory_space<hbm>>, %arg3: memref<208xi32, #tpu.memory_space<hbm>>, %arg4: memref<2600000x32xf32, #tpu.memory_space<hbm>>, %arg5: memref<425984x32xf32, #tpu.memory_space<hbm>>, %arg6: memref<13312xi32, #tpu.memory_space<vmem>>, %arg7: memref<208xi32, #tpu.memory_space<vmem>>, %arg8: memref<8x128x32xf32, #tpu.memory_space<vmem>>, %arg9: memref<!tpu.dma_semaphore, #tpu.memory_space<semaphore_mem>>) attributes {dimension_semantics = [#tpu.dimension_semantics<core_parallel>, #tpu.dimension_semantics<subcore_parallel>], iteration_bounds = array<i64: 2, 16>, scalar_prefetch = 0 : i64, scratch_operands = 4 : i64, tpu.core_type = #tpu.core_type<sc_vector_subcore>, window_params = [{transform_indices = #map}, {transform_indices = #map}, {transform_indices = #map1}, {transform_indices = #map1}]} {
    %mul3A = arith.constant 2 : i32
    %mul3A_0 = arith.muli %arg1, %mul3A : i32
    %add3A = arith.addi %mul3A_0, %arg0 : i32
    %mul3A_1 = arith.constant 13312 : i32
    %mul3A_2 = arith.muli %add3A, %mul3A_1 : i32
    "tpu.region"() ({
      %run_scoped3A = tpu.sem_alloc : memref<!tpu.dma_semaphore, #tpu.memory_space<semaphore_mem>>
      tpu.enqueue_dma source(%arg3 : memref<208xi32, #tpu.memory_space<hbm>>) target(%arg7 : memref<208xi32, #tpu.memory_space<vmem>>) target_semaphore(%run_scoped3A : memref<!tpu.dma_semaphore, #tpu.memory_space<semaphore_mem>>)
      tpu.wait_dma2 semaphore(%run_scoped3A : memref<!tpu.dma_semaphore, #tpu.memory_space<semaphore_mem>>) src(%arg3 : memref<208xi32, #tpu.memory_space<hbm>>) dst(%arg7 : memref<208xi32, #tpu.memory_space<vmem>>)
      tpu.yield
    }) : () -> ()
    "tpu.region"() ({
      %run_scoped3A = tpu.sem_alloc : memref<!tpu.dma_semaphore, #tpu.memory_space<semaphore_mem>>
      %dma_start3A = tpu.memref_slice %arg2[%mul3A_2] : memref<425984xi32, #tpu.memory_space<hbm>> -> memref<13312xi32, #tpu.memory_space<hbm>>
      %dma_start3A_14 = tpu.memref_slice %arg2[%mul3A_2] : memref<425984xi32, #tpu.memory_space<hbm>> -> memref<13312xi32, #tpu.memory_space<hbm>>
      tpu.enqueue_dma source(%dma_start3A_14 : memref<13312xi32, #tpu.memory_space<hbm>>) target(%arg6 : memref<13312xi32, #tpu.memory_space<vmem>>) target_semaphore(%run_scoped3A : memref<!tpu.dma_semaphore, #tpu.memory_space<semaphore_mem>>)
      %dma_wait3A = tpu.memref_slice %arg2[%mul3A_2] : memref<425984xi32, #tpu.memory_space<hbm>> -> memref<13312xi32, #tpu.memory_space<hbm>>
      %dma_wait3A_15 = tpu.memref_slice %arg2[%mul3A_2] : memref<425984xi32, #tpu.memory_space<hbm>> -> memref<13312xi32, #tpu.memory_space<hbm>>
      tpu.wait_dma2 semaphore(%run_scoped3A : memref<!tpu.dma_semaphore, #tpu.memory_space<semaphore_mem>>) src(%dma_wait3A_15 : memref<13312xi32, #tpu.memory_space<hbm>>) dst(%arg6 : memref<13312xi32, #tpu.memory_space<vmem>>)
      tpu.yield
    }) : () -> ()
    %scan3A = arith.constant 0 : i32
    %scan3A_3 = arith.constant 0 : i32
    %scan3A_4 = arith.constant 64 : i32
    %scan3A_5 = arith.addi %scan3A_3, %scan3A_4 : i32
    %scan3A_6 = arith.constant 1 : i32
    scf.for %scan3A_14 = %scan3A_3 to %scan3A_5 step %scan3A_6  : i32 {
      %mul3A_15 = arith.constant 208 : i32
      %mul3A_16 = arith.muli %scan3A_14, %mul3A_15 : i32
      %add3A_17 = arith.constant 0 : i32
      %add3A_18 = arith.addi %mul3A_16, %add3A_17 : i32
      %get3A = arith.index_cast %add3A_18 : i32 to index
      %get3A_19 = tpu.vector_load %arg6[%get3A] {strides = array<i32>} : memref<13312xi32, #tpu.memory_space<vmem>>, vector<16xi32>,
      %get3A_20 = vector.shape_cast %get3A_19 : vector<16xi32> to vector<16xi32>
      %get3A_21 = arith.constant 0 : index
      %get3A_22 = tpu.vector_load %arg7[%get3A_21] {strides = array<i32>} : memref<208xi32, #tpu.memory_space<vmem>>, vector<16xi32>,
      %get3A_23 = vector.shape_cast %get3A_22 : vector<16xi32> to vector<16xi32>
      %add3A_24 = arith.addi %get3A_20, %get3A_23 : vector<16xi32>
      %swap3A = arith.index_cast %add3A_18 : i32 to index
      %swap3A_25 = tpu.vector_load %arg6[%swap3A] {strides = array<i32>} : memref<13312xi32, #tpu.memory_space<vmem>>, vector<16xi32>,
      %swap3A_26 = vector.shape_cast %swap3A_25 : vector<16xi32> to vector<16xi32>
      %swap3A_27 = vector.shape_cast %add3A_24 : vector<16xi32> to vector<16xi32>
      tpu.vector_store %arg6[%swap3A], %swap3A_27 {strides = array<i32>} : memref<13312xi32, #tpu.memory_space<vmem>>, vector<16xi32>,
      %add3A_28 = arith.constant 16 : i32
      %add3A_29 = arith.addi %mul3A_16, %add3A_28 : i32
      %get3A_30 = arith.index_cast %add3A_29 : i32 to index
      %get3A_31 = tpu.vector_load %arg6[%get3A_30] {strides = array<i32>} : memref<13312xi32, #tpu.memory_space<vmem>>, vector<16xi32>,
      %get3A_32 = vector.shape_cast %get3A_31 : vector<16xi32> to vector<16xi32>
      %get3A_33 = arith.constant 16 : index
      %get3A_34 = tpu.vector_load %arg7[%get3A_33] {strides = array<i32>} : memref<208xi32, #tpu.memory_space<vmem>>, vector<16xi32>,
      %get3A_35 = vector.shape_cast %get3A_34 : vector<16xi32> to vector<16xi32>
      %add3A_36 = arith.addi %get3A_32, %get3A_35 : vector<16xi32>
      %swap3A_37 = arith.index_cast %add3A_29 : i32 to index
      %swap3A_38 = tpu.vector_load %arg6[%swap3A_37] {strides = array<i32>} : memref<13312xi32, #tpu.memory_space<vmem>>, vector<16xi32>,
      %swap3A_39 = vector.shape_cast %swap3A_38 : vector<16xi32> to vector<16xi32>
      %swap3A_40 = vector.shape_cast %add3A_36 : vector<16xi32> to vector<16xi32>
      tpu.vector_store %arg6[%swap3A_37], %swap3A_40 {strides = array<i32>} : memref<13312xi32, #tpu.memory_space<vmem>>, vector<16xi32>,
      %add3A_41 = arith.constant 32 : i32
      %add3A_42 = arith.addi %mul3A_16, %add3A_41 : i32
      %get3A_43 = arith.index_cast %add3A_42 : i32 to index
      %get3A_44 = tpu.vector_load %arg6[%get3A_43] {strides = array<i32>} : memref<13312xi32, #tpu.memory_space<vmem>>, vector<16xi32>,
      %get3A_45 = vector.shape_cast %get3A_44 : vector<16xi32> to vector<16xi32>
      %get3A_46 = arith.constant 32 : index
      %get3A_47 = tpu.vector_load %arg7[%get3A_46] {strides = array<i32>} : memref<208xi32, #tpu.memory_space<vmem>>, vector<16xi32>,
      %get3A_48 = vector.shape_cast %get3A_47 : vector<16xi32> to vector<16xi32>
      %add3A_49 = arith.addi %get3A_45, %get3A_48 : vector<16xi32>
      %swap3A_50 = arith.index_cast %add3A_42 : i32 to index
      %swap3A_51 = tpu.vector_load %arg6[%swap3A_50] {strides = array<i32>} : memref<13312xi32, #tpu.memory_space<vmem>>, vector<16xi32>,
      %swap3A_52 = vector.shape_cast %swap3A_51 : vector<16xi32> to vector<16xi32>
      %swap3A_53 = vector.shape_cast %add3A_49 : vector<16xi32> to vector<16xi32>
      tpu.vector_store %arg6[%swap3A_50], %swap3A_53 {strides = array<i32>} : memref<13312xi32, #tpu.memory_space<vmem>>, vector<16xi32>,
      %add3A_54 = arith.constant 48 : i32
      %add3A_55 = arith.addi %mul3A_16, %add3A_54 : i32
      %get3A_56 = arith.index_cast %add3A_55 : i32 to index
      %get3A_57 = tpu.vector_load %arg6[%get3A_56] {strides = array<i32>} : memref<13312xi32, #tpu.memory_space<vmem>>, vector<16xi32>,
      %get3A_58 = vector.shape_cast %get3A_57 : vector<16xi32> to vector<16xi32>
      %get3A_59 = arith.constant 48 : index
      %get3A_60 = tpu.vector_load %arg7[%get3A_59] {strides = array<i32>} : memref<208xi32, #tpu.memory_space<vmem>>, vector<16xi32>,
      %get3A_61 = vector.shape_cast %get3A_60 : vector<16xi32> to vector<16xi32>
      %add3A_62 = arith.addi %get3A_58, %get3A_61 : vector<16xi32>
      %swap3A_63 = arith.index_cast %add3A_55 : i32 to index
      %swap3A_64 = tpu.vector_load %arg6[%swap3A_63] {strides = array<i32>} : memref<13312xi32, #tpu.memory_space<vmem>>, vector<16xi32>,
      %swap3A_65 = vector.shape_cast %swap3A_64 : vector<16xi32> to vector<16xi32>
      %swap3A_66 = vector.shape_cast %add3A_62 : vector<16xi32> to vector<16xi32>
      tpu.vector_store %arg6[%swap3A_63], %swap3A_66 {strides = array<i32>} : memref<13312xi32, #tpu.memory_space<vmem>>, vector<16xi32>,
      %add3A_67 = arith.constant 64 : i32
      %add3A_68 = arith.addi %mul3A_16, %add3A_67 : i32
      %get3A_69 = arith.index_cast %add3A_68 : i32 to index
      %get3A_70 = tpu.vector_load %arg6[%get3A_69] {strides = array<i32>} : memref<13312xi32, #tpu.memory_space<vmem>>, vector<16xi32>,
      %get3A_71 = vector.shape_cast %get3A_70 : vector<16xi32> to vector<16xi32>
      %get3A_72 = arith.constant 64 : index
      %get3A_73 = tpu.vector_load %arg7[%get3A_72] {strides = array<i32>} : memref<208xi32, #tpu.memory_space<vmem>>, vector<16xi32>,
      %get3A_74 = vector.shape_cast %get3A_73 : vector<16xi32> to vector<16xi32>
      %add3A_75 = arith.addi %get3A_71, %get3A_74 : vector<16xi32>
      %swap3A_76 = arith.index_cast %add3A_68 : i32 to index
      %swap3A_77 = tpu.vector_load %arg6[%swap3A_76] {strides = array<i32>} : memref<13312xi32, #tpu.memory_space<vmem>>, vector<16xi32>,
      %swap3A_78 = vector.shape_cast %swap3A_77 : vector<16xi32> to vector<16xi32>
      %swap3A_79 = vector.shape_cast %add3A_75 : vector<16xi32> to vector<16xi32>
      tpu.vector_store %arg6[%swap3A_76], %swap3A_79 {strides = array<i32>} : memref<13312xi32, #tpu.memory_space<vmem>>, vector<16xi32>,
      %add3A_80 = arith.constant 80 : i32
      %add3A_81 = arith.addi %mul3A_16, %add3A_80 : i32
      %get3A_82 = arith.index_cast %add3A_81 : i32 to index
      %get3A_83 = tpu.vector_load %arg6[%get3A_82] {strides = array<i32>} : memref<13312xi32, #tpu.memory_space<vmem>>, vector<16xi32>,
      %get3A_84 = vector.shape_cast %get3A_83 : vector<16xi32> to vector<16xi32>
      %get3A_85 = arith.constant 80 : index
      %get3A_86 = tpu.vector_load %arg7[%get3A_85] {strides = array<i32>} : memref<208xi32, #tpu.memory_space<vmem>>, vector<16xi32>,
      %get3A_87 = vector.shape_cast %get3A_86 : vector<16xi32> to vector<16xi32>
      %add3A_88 = arith.addi %get3A_84, %get3A_87 : vector<16xi32>
      %swap3A_89 = arith.index_cast %add3A_81 : i32 to index
      %swap3A_90 = tpu.vector_load %arg6[%swap3A_89] {strides = array<i32>} : memref<13312xi32, #tpu.memory_space<vmem>>, vector<16xi32>,
      %swap3A_91 = vector.shape_cast %swap3A_90 : vector<16xi32> to vector<16xi32>
      %swap3A_92 = vector.shape_cast %add3A_88 : vector<16xi32> to vector<16xi32>
      tpu.vector_store %arg6[%swap3A_89], %swap3A_92 {strides = array<i32>} : memref<13312xi32, #tpu.memory_space<vmem>>, vector<16xi32>,
      %add3A_93 = arith.constant 96 : i32
      %add3A_94 = arith.addi %mul3A_16, %add3A_93 : i32
      %get3A_95 = arith.index_cast %add3A_94 : i32 to index
      %get3A_96 = tpu.vector_load %arg6[%get3A_95] {strides = array<i32>} : memref<13312xi32, #tpu.memory_space<vmem>>, vector<16xi32>,
      %get3A_97 = vector.shape_cast %get3A_96 : vector<16xi32> to vector<16xi32>
      %get3A_98 = arith.constant 96 : index
      %get3A_99 = tpu.vector_load %arg7[%get3A_98] {strides = array<i32>} : memref<208xi32, #tpu.memory_space<vmem>>, vector<16xi32>,
      %get3A_100 = vector.shape_cast %get3A_99 : vector<16xi32> to vector<16xi32>
      %add3A_101 = arith.addi %get3A_97, %get3A_100 : vector<16xi32>
      %swap3A_102 = arith.index_cast %add3A_94 : i32 to index
      %swap3A_103 = tpu.vector_load %arg6[%swap3A_102] {strides = array<i32>} : memref<13312xi32, #tpu.memory_space<vmem>>, vector<16xi32>,
      %swap3A_104 = vector.shape_cast %swap3A_103 : vector<16xi32> to vector<16xi32>
      %swap3A_105 = vector.shape_cast %add3A_101 : vector<16xi32> to vector<16xi32>
      tpu.vector_store %arg6[%swap3A_102], %swap3A_105 {strides = array<i32>} : memref<13312xi32, #tpu.memory_space<vmem>>, vector<16xi32>,
      %add3A_106 = arith.constant 112 : i32
      %add3A_107 = arith.addi %mul3A_16, %add3A_106 : i32
      %get3A_108 = arith.index_cast %add3A_107 : i32 to index
      %get3A_109 = tpu.vector_load %arg6[%get3A_108] {strides = array<i32>} : memref<13312xi32, #tpu.memory_space<vmem>>, vector<16xi32>,
      %get3A_110 = vector.shape_cast %get3A_109 : vector<16xi32> to vector<16xi32>
      %get3A_111 = arith.constant 112 : index
      %get3A_112 = tpu.vector_load %arg7[%get3A_111] {strides = array<i32>} : memref<208xi32, #tpu.memory_space<vmem>>, vector<16xi32>,
      %get3A_113 = vector.shape_cast %get3A_112 : vector<16xi32> to vector<16xi32>
      %add3A_114 = arith.addi %get3A_110, %get3A_113 : vector<16xi32>
      %swap3A_115 = arith.index_cast %add3A_107 : i32 to index
      %swap3A_116 = tpu.vector_load %arg6[%swap3A_115] {strides = array<i32>} : memref<13312xi32, #tpu.memory_space<vmem>>, vector<16xi32>,
      %swap3A_117 = vector.shape_cast %swap3A_116 : vector<16xi32> to vector<16xi32>
      %swap3A_118 = vector.shape_cast %add3A_114 : vector<16xi32> to vector<16xi32>
      tpu.vector_store %arg6[%swap3A_115], %swap3A_118 {strides = array<i32>} : memref<13312xi32, #tpu.memory_space<vmem>>, vector<16xi32>,
      %add3A_119 = arith.constant 128 : i32
      %add3A_120 = arith.addi %mul3A_16, %add3A_119 : i32
      %get3A_121 = arith.index_cast %add3A_120 : i32 to index
      %get3A_122 = tpu.vector_load %arg6[%get3A_121] {strides = array<i32>} : memref<13312xi32, #tpu.memory_space<vmem>>, vector<16xi32>,
      %get3A_123 = vector.shape_cast %get3A_122 : vector<16xi32> to vector<16xi32>
      %get3A_124 = arith.constant 128 : index
      %get3A_125 = tpu.vector_load %arg7[%get3A_124] {strides = array<i32>} : memref<208xi32, #tpu.memory_space<vmem>>, vector<16xi32>,
      %get3A_126 = vector.shape_cast %get3A_125 : vector<16xi32> to vector<16xi32>
      %add3A_127 = arith.addi %get3A_123, %get3A_126 : vector<16xi32>
      %swap3A_128 = arith.index_cast %add3A_120 : i32 to index
      %swap3A_129 = tpu.vector_load %arg6[%swap3A_128] {strides = array<i32>} : memref<13312xi32, #tpu.memory_space<vmem>>, vector<16xi32>,
      %swap3A_130 = vector.shape_cast %swap3A_129 : vector<16xi32> to vector<16xi32>
      %swap3A_131 = vector.shape_cast %add3A_127 : vector<16xi32> to vector<16xi32>
      tpu.vector_store %arg6[%swap3A_128], %swap3A_131 {strides = array<i32>} : memref<13312xi32, #tpu.memory_space<vmem>>, vector<16xi32>,
      %add3A_132 = arith.constant 144 : i32
      %add3A_133 = arith.addi %mul3A_16, %add3A_132 : i32
      %get3A_134 = arith.index_cast %add3A_133 : i32 to index
      %get3A_135 = tpu.vector_load %arg6[%get3A_134] {strides = array<i32>} : memref<13312xi32, #tpu.memory_space<vmem>>, vector<16xi32>,
      %get3A_136 = vector.shape_cast %get3A_135 : vector<16xi32> to vector<16xi32>
      %get3A_137 = arith.constant 144 : index
      %get3A_138 = tpu.vector_load %arg7[%get3A_137] {strides = array<i32>} : memref<208xi32, #tpu.memory_space<vmem>>, vector<16xi32>,
      %get3A_139 = vector.shape_cast %get3A_138 : vector<16xi32> to vector<16xi32>
      %add3A_140 = arith.addi %get3A_136, %get3A_139 : vector<16xi32>
      %swap3A_141 = arith.index_cast %add3A_133 : i32 to index
      %swap3A_142 = tpu.vector_load %arg6[%swap3A_141] {strides = array<i32>} : memref<13312xi32, #tpu.memory_space<vmem>>, vector<16xi32>,
      %swap3A_143 = vector.shape_cast %swap3A_142 : vector<16xi32> to vector<16xi32>
      %swap3A_144 = vector.shape_cast %add3A_140 : vector<16xi32> to vector<16xi32>
      tpu.vector_store %arg6[%swap3A_141], %swap3A_144 {strides = array<i32>} : memref<13312xi32, #tpu.memory_space<vmem>>, vector<16xi32>,
      %add3A_145 = arith.constant 160 : i32
      %add3A_146 = arith.addi %mul3A_16, %add3A_145 : i32
      %get3A_147 = arith.index_cast %add3A_146 : i32 to index
      %get3A_148 = tpu.vector_load %arg6[%get3A_147] {strides = array<i32>} : memref<13312xi32, #tpu.memory_space<vmem>>, vector<16xi32>,
      %get3A_149 = vector.shape_cast %get3A_148 : vector<16xi32> to vector<16xi32>
      %get3A_150 = arith.constant 160 : index
      %get3A_151 = tpu.vector_load %arg7[%get3A_150] {strides = array<i32>} : memref<208xi32, #tpu.memory_space<vmem>>, vector<16xi32>,
      %get3A_152 = vector.shape_cast %get3A_151 : vector<16xi32> to vector<16xi32>
      %add3A_153 = arith.addi %get3A_149, %get3A_152 : vector<16xi32>
      %swap3A_154 = arith.index_cast %add3A_146 : i32 to index
      %swap3A_155 = tpu.vector_load %arg6[%swap3A_154] {strides = array<i32>} : memref<13312xi32, #tpu.memory_space<vmem>>, vector<16xi32>,
      %swap3A_156 = vector.shape_cast %swap3A_155 : vector<16xi32> to vector<16xi32>
      %swap3A_157 = vector.shape_cast %add3A_153 : vector<16xi32> to vector<16xi32>
      tpu.vector_store %arg6[%swap3A_154], %swap3A_157 {strides = array<i32>} : memref<13312xi32, #tpu.memory_space<vmem>>, vector<16xi32>,
      %add3A_158 = arith.constant 176 : i32
      %add3A_159 = arith.addi %mul3A_16, %add3A_158 : i32
      %get3A_160 = arith.index_cast %add3A_159 : i32 to index
      %get3A_161 = tpu.vector_load %arg6[%get3A_160] {strides = array<i32>} : memref<13312xi32, #tpu.memory_space<vmem>>, vector<16xi32>,
      %get3A_162 = vector.shape_cast %get3A_161 : vector<16xi32> to vector<16xi32>
      %get3A_163 = arith.constant 176 : index
      %get3A_164 = tpu.vector_load %arg7[%get3A_163] {strides = array<i32>} : memref<208xi32, #tpu.memory_space<vmem>>, vector<16xi32>,
      %get3A_165 = vector.shape_cast %get3A_164 : vector<16xi32> to vector<16xi32>
      %add3A_166 = arith.addi %get3A_162, %get3A_165 : vector<16xi32>
      %swap3A_167 = arith.index_cast %add3A_159 : i32 to index
      %swap3A_168 = tpu.vector_load %arg6[%swap3A_167] {strides = array<i32>} : memref<13312xi32, #tpu.memory_space<vmem>>, vector<16xi32>,
      %swap3A_169 = vector.shape_cast %swap3A_168 : vector<16xi32> to vector<16xi32>
      %swap3A_170 = vector.shape_cast %add3A_166 : vector<16xi32> to vector<16xi32>
      tpu.vector_store %arg6[%swap3A_167], %swap3A_170 {strides = array<i32>} : memref<13312xi32, #tpu.memory_space<vmem>>, vector<16xi32>,
      %add3A_171 = arith.constant 192 : i32
      %add3A_172 = arith.addi %mul3A_16, %add3A_171 : i32
      %get3A_173 = arith.index_cast %add3A_172 : i32 to index
      %get3A_174 = tpu.vector_load %arg6[%get3A_173] {strides = array<i32>} : memref<13312xi32, #tpu.memory_space<vmem>>, vector<16xi32>,
      %get3A_175 = vector.shape_cast %get3A_174 : vector<16xi32> to vector<16xi32>
      %get3A_176 = arith.constant 192 : index
      %get3A_177 = tpu.vector_load %arg7[%get3A_176] {strides = array<i32>} : memref<208xi32, #tpu.memory_space<vmem>>, vector<16xi32>,
      %get3A_178 = vector.shape_cast %get3A_177 : vector<16xi32> to vector<16xi32>
      %add3A_179 = arith.addi %get3A_175, %get3A_178 : vector<16xi32>
      %swap3A_180 = arith.index_cast %add3A_172 : i32 to index
      %swap3A_181 = tpu.vector_load %arg6[%swap3A_180] {strides = array<i32>} : memref<13312xi32, #tpu.memory_space<vmem>>, vector<16xi32>,
      %swap3A_182 = vector.shape_cast %swap3A_181 : vector<16xi32> to vector<16xi32>
      %swap3A_183 = vector.shape_cast %add3A_179 : vector<16xi32> to vector<16xi32>
      tpu.vector_store %arg6[%swap3A_180], %swap3A_183 {strides = array<i32>} : memref<13312xi32, #tpu.memory_space<vmem>>, vector<16xi32>,
    }
    %scan3A_7 = arith.constant 64 : i32
    %scan3A_8 = arith.constant 0 : i32
    %scan3A_9 = arith.constant 0 : i32
    %scan3A_10 = arith.constant 13 : i32
    %scan3A_11 = arith.addi %scan3A_9, %scan3A_10 : i32
    %scan3A_12 = arith.constant 1 : i32
    scf.for %scan3A_14 = %scan3A_9 to %scan3A_11 step %scan3A_12  : i32 {
      %mul3A_15 = arith.constant 8 : i32
      %mul3A_16 = arith.muli %scan3A_14, %mul3A_15 : i32
      %add3A_17 = arith.constant 0 : i32
      %add3A_18 = arith.addi %mul3A_16, %add3A_17 : i32
      %mul3A_19 = arith.constant 128 : i32
      %mul3A_20 = arith.muli %add3A_18, %mul3A_19 : i32
      %dma_start3A = arith.constant 0 : i32
      %dma_start3A_21 = arith.constant 0 : i32
      %dma_start3A_22 = arith.constant 0 : i32
      %dma_start3A_23 = tpu.memref_slice %arg8[%dma_start3A, %dma_start3A_21, %dma_start3A_22] : memref<8x128x32xf32, #tpu.memory_space<vmem>> -> memref<1x128x32xf32, #tpu.memory_space<vmem>>
      %dma_start3A_24 = tpu.memref_squeeze %dma_start3A_23 : memref<1x128x32xf32, #tpu.memory_space<vmem>> -> memref<128x32xf32, #tpu.memory_space<vmem>>
      %dma_start3A_25 = tpu.memref_slice %arg6[%mul3A_20] : memref<13312xi32, #tpu.memory_space<vmem>> -> memref<128xi32, #tpu.memory_space<vmem>>
      %dma_start3A_26 = arith.constant 0 : i32
      %dma_start3A_27 = arith.constant 0 : i32
      %dma_start3A_28 = tpu.memref_slice %arg4[%dma_start3A_26, %dma_start3A_27] : memref<2600000x32xf32, #tpu.memory_space<hbm>> -> memref<2600000x32xf32, #tpu.memory_space<hbm>>
      tpu.enqueue_indirect_dma source(%dma_start3A_28 : memref<2600000x32xf32, #tpu.memory_space<hbm>>) target(%dma_start3A_24 : memref<128x32xf32, #tpu.memory_space<vmem>>) offsets(%dma_start3A_25 : memref<128xi32, #tpu.memory_space<vmem>>) semaphore(%arg9 : memref<!tpu.dma_semaphore, #tpu.memory_space<semaphore_mem>>)
      %add3A_29 = arith.constant 1 : i32
      %add3A_30 = arith.addi %mul3A_16, %add3A_29 : i32
      %mul3A_31 = arith.constant 128 : i32
      %mul3A_32 = arith.muli %add3A_30, %mul3A_31 : i32
      %dma_start3A_33 = arith.constant 1 : i32
      %dma_start3A_34 = arith.constant 0 : i32
      %dma_start3A_35 = arith.constant 0 : i32
      %dma_start3A_36 = tpu.memref_slice %arg8[%dma_start3A_33, %dma_start3A_34, %dma_start3A_35] : memref<8x128x32xf32, #tpu.memory_space<vmem>> -> memref<1x128x32xf32, #tpu.memory_space<vmem>>
      %dma_start3A_37 = tpu.memref_squeeze %dma_start3A_36 : memref<1x128x32xf32, #tpu.memory_space<vmem>> -> memref<128x32xf32, #tpu.memory_space<vmem>>
      %dma_start3A_38 = tpu.memref_slice %arg6[%mul3A_32] : memref<13312xi32, #tpu.memory_space<vmem>> -> memref<128xi32, #tpu.memory_space<vmem>>
      %dma_start3A_39 = arith.constant 0 : i32
      %dma_start3A_40 = arith.constant 0 : i32
      %dma_start3A_41 = tpu.memref_slice %arg4[%dma_start3A_39, %dma_start3A_40] : memref<2600000x32xf32, #tpu.memory_space<hbm>> -> memref<2600000x32xf32, #tpu.memory_space<hbm>>
      tpu.enqueue_indirect_dma source(%dma_start3A_41 : memref<2600000x32xf32, #tpu.memory_space<hbm>>) target(%dma_start3A_37 : memref<128x32xf32, #tpu.memory_space<vmem>>) offsets(%dma_start3A_38 : memref<128xi32, #tpu.memory_space<vmem>>) semaphore(%arg9 : memref<!tpu.dma_semaphore, #tpu.memory_space<semaphore_mem>>)
      %add3A_42 = arith.constant 2 : i32
      %add3A_43 = arith.addi %mul3A_16, %add3A_42 : i32
      %mul3A_44 = arith.constant 128 : i32
      %mul3A_45 = arith.muli %add3A_43, %mul3A_44 : i32
      %dma_start3A_46 = arith.constant 2 : i32
      %dma_start3A_47 = arith.constant 0 : i32
      %dma_start3A_48 = arith.constant 0 : i32
      %dma_start3A_49 = tpu.memref_slice %arg8[%dma_start3A_46, %dma_start3A_47, %dma_start3A_48] : memref<8x128x32xf32, #tpu.memory_space<vmem>> -> memref<1x128x32xf32, #tpu.memory_space<vmem>>
      %dma_start3A_50 = tpu.memref_squeeze %dma_start3A_49 : memref<1x128x32xf32, #tpu.memory_space<vmem>> -> memref<128x32xf32, #tpu.memory_space<vmem>>
      %dma_start3A_51 = tpu.memref_slice %arg6[%mul3A_45] : memref<13312xi32, #tpu.memory_space<vmem>> -> memref<128xi32, #tpu.memory_space<vmem>>
      %dma_start3A_52 = arith.constant 0 : i32
      %dma_start3A_53 = arith.constant 0 : i32
      %dma_start3A_54 = tpu.memref_slice %arg4[%dma_start3A_52, %dma_start3A_53] : memref<2600000x32xf32, #tpu.memory_space<hbm>> -> memref<2600000x32xf32, #tpu.memory_space<hbm>>
      tpu.enqueue_indirect_dma source(%dma_start3A_54 : memref<2600000x32xf32, #tpu.memory_space<hbm>>) target(%dma_start3A_50 : memref<128x32xf32, #tpu.memory_space<vmem>>) offsets(%dma_start3A_51 : memref<128xi32, #tpu.memory_space<vmem>>) semaphore(%arg9 : memref<!tpu.dma_semaphore, #tpu.memory_space<semaphore_mem>>)
      %add3A_55 = arith.constant 3 : i32
      %add3A_56 = arith.addi %mul3A_16, %add3A_55 : i32
      %mul3A_57 = arith.constant 128 : i32
      %mul3A_58 = arith.muli %add3A_56, %mul3A_57 : i32
      %dma_start3A_59 = arith.constant 3 : i32
      %dma_start3A_60 = arith.constant 0 : i32
      %dma_start3A_61 = arith.constant 0 : i32
      %dma_start3A_62 = tpu.memref_slice %arg8[%dma_start3A_59, %dma_start3A_60, %dma_start3A_61] : memref<8x128x32xf32, #tpu.memory_space<vmem>> -> memref<1x128x32xf32, #tpu.memory_space<vmem>>
      %dma_start3A_63 = tpu.memref_squeeze %dma_start3A_62 : memref<1x128x32xf32, #tpu.memory_space<vmem>> -> memref<128x32xf32, #tpu.memory_space<vmem>>
      %dma_start3A_64 = tpu.memref_slice %arg6[%mul3A_58] : memref<13312xi32, #tpu.memory_space<vmem>> -> memref<128xi32, #tpu.memory_space<vmem>>
      %dma_start3A_65 = arith.constant 0 : i32
      %dma_start3A_66 = arith.constant 0 : i32
      %dma_start3A_67 = tpu.memref_slice %arg4[%dma_start3A_65, %dma_start3A_66] : memref<2600000x32xf32, #tpu.memory_space<hbm>> -> memref<2600000x32xf32, #tpu.memory_space<hbm>>
      tpu.enqueue_indirect_dma source(%dma_start3A_67 : memref<2600000x32xf32, #tpu.memory_space<hbm>>) target(%dma_start3A_63 : memref<128x32xf32, #tpu.memory_space<vmem>>) offsets(%dma_start3A_64 : memref<128xi32, #tpu.memory_space<vmem>>) semaphore(%arg9 : memref<!tpu.dma_semaphore, #tpu.memory_space<semaphore_mem>>)
      %add3A_68 = arith.constant 4 : i32
      %add3A_69 = arith.addi %mul3A_16, %add3A_68 : i32
      %mul3A_70 = arith.constant 128 : i32
      %mul3A_71 = arith.muli %add3A_69, %mul3A_70 : i32
      %dma_start3A_72 = arith.constant 4 : i32
      %dma_start3A_73 = arith.constant 0 : i32
      %dma_start3A_74 = arith.constant 0 : i32
      %dma_start3A_75 = tpu.memref_slice %arg8[%dma_start3A_72, %dma_start3A_73, %dma_start3A_74] : memref<8x128x32xf32, #tpu.memory_space<vmem>> -> memref<1x128x32xf32, #tpu.memory_space<vmem>>
      %dma_start3A_76 = tpu.memref_squeeze %dma_start3A_75 : memref<1x128x32xf32, #tpu.memory_space<vmem>> -> memref<128x32xf32, #tpu.memory_space<vmem>>
      %dma_start3A_77 = tpu.memref_slice %arg6[%mul3A_71] : memref<13312xi32, #tpu.memory_space<vmem>> -> memref<128xi32, #tpu.memory_space<vmem>>
      %dma_start3A_78 = arith.constant 0 : i32
      %dma_start3A_79 = arith.constant 0 : i32
      %dma_start3A_80 = tpu.memref_slice %arg4[%dma_start3A_78, %dma_start3A_79] : memref<2600000x32xf32, #tpu.memory_space<hbm>> -> memref<2600000x32xf32, #tpu.memory_space<hbm>>
      tpu.enqueue_indirect_dma source(%dma_start3A_80 : memref<2600000x32xf32, #tpu.memory_space<hbm>>) target(%dma_start3A_76 : memref<128x32xf32, #tpu.memory_space<vmem>>) offsets(%dma_start3A_77 : memref<128xi32, #tpu.memory_space<vmem>>) semaphore(%arg9 : memref<!tpu.dma_semaphore, #tpu.memory_space<semaphore_mem>>)
      %add3A_81 = arith.constant 5 : i32
      %add3A_82 = arith.addi %mul3A_16, %add3A_81 : i32
      %mul3A_83 = arith.constant 128 : i32
      %mul3A_84 = arith.muli %add3A_82, %mul3A_83 : i32
      %dma_start3A_85 = arith.constant 5 : i32
      %dma_start3A_86 = arith.constant 0 : i32
      %dma_start3A_87 = arith.constant 0 : i32
      %dma_start3A_88 = tpu.memref_slice %arg8[%dma_start3A_85, %dma_start3A_86, %dma_start3A_87] : memref<8x128x32xf32, #tpu.memory_space<vmem>> -> memref<1x128x32xf32, #tpu.memory_space<vmem>>
      %dma_start3A_89 = tpu.memref_squeeze %dma_start3A_88 : memref<1x128x32xf32, #tpu.memory_space<vmem>> -> memref<128x32xf32, #tpu.memory_space<vmem>>
      %dma_start3A_90 = tpu.memref_slice %arg6[%mul3A_84] : memref<13312xi32, #tpu.memory_space<vmem>> -> memref<128xi32, #tpu.memory_space<vmem>>
      %dma_start3A_91 = arith.constant 0 : i32
      %dma_start3A_92 = arith.constant 0 : i32
      %dma_start3A_93 = tpu.memref_slice %arg4[%dma_start3A_91, %dma_start3A_92] : memref<2600000x32xf32, #tpu.memory_space<hbm>> -> memref<2600000x32xf32, #tpu.memory_space<hbm>>
      tpu.enqueue_indirect_dma source(%dma_start3A_93 : memref<2600000x32xf32, #tpu.memory_space<hbm>>) target(%dma_start3A_89 : memref<128x32xf32, #tpu.memory_space<vmem>>) offsets(%dma_start3A_90 : memref<128xi32, #tpu.memory_space<vmem>>) semaphore(%arg9 : memref<!tpu.dma_semaphore, #tpu.memory_space<semaphore_mem>>)
      %add3A_94 = arith.constant 6 : i32
      %add3A_95 = arith.addi %mul3A_16, %add3A_94 : i32
      %mul3A_96 = arith.constant 128 : i32
      %mul3A_97 = arith.muli %add3A_95, %mul3A_96 : i32
      %dma_start3A_98 = arith.constant 6 : i32
      %dma_start3A_99 = arith.constant 0 : i32
      %dma_start3A_100 = arith.constant 0 : i32
      %dma_start3A_101 = tpu.memref_slice %arg8[%dma_start3A_98, %dma_start3A_99, %dma_start3A_100] : memref<8x128x32xf32, #tpu.memory_space<vmem>> -> memref<1x128x32xf32, #tpu.memory_space<vmem>>
      %dma_start3A_102 = tpu.memref_squeeze %dma_start3A_101 : memref<1x128x32xf32, #tpu.memory_space<vmem>> -> memref<128x32xf32, #tpu.memory_space<vmem>>
      %dma_start3A_103 = tpu.memref_slice %arg6[%mul3A_97] : memref<13312xi32, #tpu.memory_space<vmem>> -> memref<128xi32, #tpu.memory_space<vmem>>
      %dma_start3A_104 = arith.constant 0 : i32
      %dma_start3A_105 = arith.constant 0 : i32
      %dma_start3A_106 = tpu.memref_slice %arg4[%dma_start3A_104, %dma_start3A_105] : memref<2600000x32xf32, #tpu.memory_space<hbm>> -> memref<2600000x32xf32, #tpu.memory_space<hbm>>
      tpu.enqueue_indirect_dma source(%dma_start3A_106 : memref<2600000x32xf32, #tpu.memory_space<hbm>>) target(%dma_start3A_102 : memref<128x32xf32, #tpu.memory_space<vmem>>) offsets(%dma_start3A_103 : memref<128xi32, #tpu.memory_space<vmem>>) semaphore(%arg9 : memref<!tpu.dma_semaphore, #tpu.memory_space<semaphore_mem>>)
      %add3A_107 = arith.constant 7 : i32
      %add3A_108 = arith.addi %mul3A_16, %add3A_107 : i32
      %mul3A_109 = arith.constant 128 : i32
      %mul3A_110 = arith.muli %add3A_108, %mul3A_109 : i32
      %dma_start3A_111 = arith.constant 7 : i32
      %dma_start3A_112 = arith.constant 0 : i32
      %dma_start3A_113 = arith.constant 0 : i32
      %dma_start3A_114 = tpu.memref_slice %arg8[%dma_start3A_111, %dma_start3A_112, %dma_start3A_113] : memref<8x128x32xf32, #tpu.memory_space<vmem>> -> memref<1x128x32xf32, #tpu.memory_space<vmem>>
      %dma_start3A_115 = tpu.memref_squeeze %dma_start3A_114 : memref<1x128x32xf32, #tpu.memory_space<vmem>> -> memref<128x32xf32, #tpu.memory_space<vmem>>
      %dma_start3A_116 = tpu.memref_slice %arg6[%mul3A_110] : memref<13312xi32, #tpu.memory_space<vmem>> -> memref<128xi32, #tpu.memory_space<vmem>>
      %dma_start3A_117 = arith.constant 0 : i32
      %dma_start3A_118 = arith.constant 0 : i32
      %dma_start3A_119 = tpu.memref_slice %arg4[%dma_start3A_117, %dma_start3A_118] : memref<2600000x32xf32, #tpu.memory_space<hbm>> -> memref<2600000x32xf32, #tpu.memory_space<hbm>>
      tpu.enqueue_indirect_dma source(%dma_start3A_119 : memref<2600000x32xf32, #tpu.memory_space<hbm>>) target(%dma_start3A_115 : memref<128x32xf32, #tpu.memory_space<vmem>>) offsets(%dma_start3A_116 : memref<128xi32, #tpu.memory_space<vmem>>) semaphore(%arg9 : memref<!tpu.dma_semaphore, #tpu.memory_space<semaphore_mem>>)
      %dma_wait3A = arith.constant 0 : i32
      %dma_wait3A_120 = arith.constant 0 : i32
      %dma_wait3A_121 = arith.constant 0 : i32
      %dma_wait3A_122 = tpu.memref_slice %arg8[%dma_wait3A, %dma_wait3A_120, %dma_wait3A_121] : memref<8x128x32xf32, #tpu.memory_space<vmem>> -> memref<1x128x32xf32, #tpu.memory_space<vmem>>
      %dma_wait3A_123 = tpu.memref_squeeze %dma_wait3A_122 : memref<1x128x32xf32, #tpu.memory_space<vmem>> -> memref<128x32xf32, #tpu.memory_space<vmem>>
      %dma_wait3A_124 = tpu.memref_slice %arg6[%mul3A_20] : memref<13312xi32, #tpu.memory_space<vmem>> -> memref<128xi32, #tpu.memory_space<vmem>>
      %dma_wait3A_125 = arith.constant 0 : i32
      %dma_wait3A_126 = arith.constant 0 : i32
      %dma_wait3A_127 = tpu.memref_slice %arg4[%dma_wait3A_125, %dma_wait3A_126] : memref<2600000x32xf32, #tpu.memory_space<hbm>> -> memref<2600000x32xf32, #tpu.memory_space<hbm>>
      tpu.wait_indirect_dma semaphore(%arg9 : memref<!tpu.dma_semaphore, #tpu.memory_space<semaphore_mem>>) src(%dma_wait3A_127 : memref<2600000x32xf32, #tpu.memory_space<hbm>>) dst(%dma_wait3A_123 : memref<128x32xf32, #tpu.memory_space<vmem>>)
      %dma_wait3A_128 = arith.constant 1 : i32
      %dma_wait3A_129 = arith.constant 0 : i32
      %dma_wait3A_130 = arith.constant 0 : i32
      %dma_wait3A_131 = tpu.memref_slice %arg8[%dma_wait3A_128, %dma_wait3A_129, %dma_wait3A_130] : memref<8x128x32xf32, #tpu.memory_space<vmem>> -> memref<1x128x32xf32, #tpu.memory_space<vmem>>
      %dma_wait3A_132 = tpu.memref_squeeze %dma_wait3A_131 : memref<1x128x32xf32, #tpu.memory_space<vmem>> -> memref<128x32xf32, #tpu.memory_space<vmem>>
      %dma_wait3A_133 = tpu.memref_slice %arg6[%mul3A_32] : memref<13312xi32, #tpu.memory_space<vmem>> -> memref<128xi32, #tpu.memory_space<vmem>>
      %dma_wait3A_134 = arith.constant 0 : i32
      %dma_wait3A_135 = arith.constant 0 : i32
      %dma_wait3A_136 = tpu.memref_slice %arg4[%dma_wait3A_134, %dma_wait3A_135] : memref<2600000x32xf32, #tpu.memory_space<hbm>> -> memref<2600000x32xf32, #tpu.memory_space<hbm>>
      tpu.wait_indirect_dma semaphore(%arg9 : memref<!tpu.dma_semaphore, #tpu.memory_space<semaphore_mem>>) src(%dma_wait3A_136 : memref<2600000x32xf32, #tpu.memory_space<hbm>>) dst(%dma_wait3A_132 : memref<128x32xf32, #tpu.memory_space<vmem>>)
      %dma_wait3A_137 = arith.constant 2 : i32
      %dma_wait3A_138 = arith.constant 0 : i32
      %dma_wait3A_139 = arith.constant 0 : i32
      %dma_wait3A_140 = tpu.memref_slice %arg8[%dma_wait3A_137, %dma_wait3A_138, %dma_wait3A_139] : memref<8x128x32xf32, #tpu.memory_space<vmem>> -> memref<1x128x32xf32, #tpu.memory_space<vmem>>
      %dma_wait3A_141 = tpu.memref_squeeze %dma_wait3A_140 : memref<1x128x32xf32, #tpu.memory_space<vmem>> -> memref<128x32xf32, #tpu.memory_space<vmem>>
      %dma_wait3A_142 = tpu.memref_slice %arg6[%mul3A_45] : memref<13312xi32, #tpu.memory_space<vmem>> -> memref<128xi32, #tpu.memory_space<vmem>>
      %dma_wait3A_143 = arith.constant 0 : i32
      %dma_wait3A_144 = arith.constant 0 : i32
      %dma_wait3A_145 = tpu.memref_slice %arg4[%dma_wait3A_143, %dma_wait3A_144] : memref<2600000x32xf32, #tpu.memory_space<hbm>> -> memref<2600000x32xf32, #tpu.memory_space<hbm>>
      tpu.wait_indirect_dma semaphore(%arg9 : memref<!tpu.dma_semaphore, #tpu.memory_space<semaphore_mem>>) src(%dma_wait3A_145 : memref<2600000x32xf32, #tpu.memory_space<hbm>>) dst(%dma_wait3A_141 : memref<128x32xf32, #tpu.memory_space<vmem>>)
      %dma_wait3A_146 = arith.constant 3 : i32
      %dma_wait3A_147 = arith.constant 0 : i32
      %dma_wait3A_148 = arith.constant 0 : i32
      %dma_wait3A_149 = tpu.memref_slice %arg8[%dma_wait3A_146, %dma_wait3A_147, %dma_wait3A_148] : memref<8x128x32xf32, #tpu.memory_space<vmem>> -> memref<1x128x32xf32, #tpu.memory_space<vmem>>
      %dma_wait3A_150 = tpu.memref_squeeze %dma_wait3A_149 : memref<1x128x32xf32, #tpu.memory_space<vmem>> -> memref<128x32xf32, #tpu.memory_space<vmem>>
      %dma_wait3A_151 = tpu.memref_slice %arg6[%mul3A_58] : memref<13312xi32, #tpu.memory_space<vmem>> -> memref<128xi32, #tpu.memory_space<vmem>>
      %dma_wait3A_152 = arith.constant 0 : i32
      %dma_wait3A_153 = arith.constant 0 : i32
      %dma_wait3A_154 = tpu.memref_slice %arg4[%dma_wait3A_152, %dma_wait3A_153] : memref<2600000x32xf32, #tpu.memory_space<hbm>> -> memref<2600000x32xf32, #tpu.memory_space<hbm>>
      tpu.wait_indirect_dma semaphore(%arg9 : memref<!tpu.dma_semaphore, #tpu.memory_space<semaphore_mem>>) src(%dma_wait3A_154 : memref<2600000x32xf32, #tpu.memory_space<hbm>>) dst(%dma_wait3A_150 : memref<128x32xf32, #tpu.memory_space<vmem>>)
      %dma_wait3A_155 = arith.constant 4 : i32
      %dma_wait3A_156 = arith.constant 0 : i32
      %dma_wait3A_157 = arith.constant 0 : i32
      %dma_wait3A_158 = tpu.memref_slice %arg8[%dma_wait3A_155, %dma_wait3A_156, %dma_wait3A_157] : memref<8x128x32xf32, #tpu.memory_space<vmem>> -> memref<1x128x32xf32, #tpu.memory_space<vmem>>
      %dma_wait3A_159 = tpu.memref_squeeze %dma_wait3A_158 : memref<1x128x32xf32, #tpu.memory_space<vmem>> -> memref<128x32xf32, #tpu.memory_space<vmem>>
      %dma_wait3A_160 = tpu.memref_slice %arg6[%mul3A_71] : memref<13312xi32, #tpu.memory_space<vmem>> -> memref<128xi32, #tpu.memory_space<vmem>>
      %dma_wait3A_161 = arith.constant 0 : i32
      %dma_wait3A_162 = arith.constant 0 : i32
      %dma_wait3A_163 = tpu.memref_slice %arg4[%dma_wait3A_161, %dma_wait3A_162] : memref<2600000x32xf32, #tpu.memory_space<hbm>> -> memref<2600000x32xf32, #tpu.memory_space<hbm>>
      tpu.wait_indirect_dma semaphore(%arg9 : memref<!tpu.dma_semaphore, #tpu.memory_space<semaphore_mem>>) src(%dma_wait3A_163 : memref<2600000x32xf32, #tpu.memory_space<hbm>>) dst(%dma_wait3A_159 : memref<128x32xf32, #tpu.memory_space<vmem>>)
      %dma_wait3A_164 = arith.constant 5 : i32
      %dma_wait3A_165 = arith.constant 0 : i32
      %dma_wait3A_166 = arith.constant 0 : i32
      %dma_wait3A_167 = tpu.memref_slice %arg8[%dma_wait3A_164, %dma_wait3A_165, %dma_wait3A_166] : memref<8x128x32xf32, #tpu.memory_space<vmem>> -> memref<1x128x32xf32, #tpu.memory_space<vmem>>
      %dma_wait3A_168 = tpu.memref_squeeze %dma_wait3A_167 : memref<1x128x32xf32, #tpu.memory_space<vmem>> -> memref<128x32xf32, #tpu.memory_space<vmem>>
      %dma_wait3A_169 = tpu.memref_slice %arg6[%mul3A_84] : memref<13312xi32, #tpu.memory_space<vmem>> -> memref<128xi32, #tpu.memory_space<vmem>>
      %dma_wait3A_170 = arith.constant 0 : i32
      %dma_wait3A_171 = arith.constant 0 : i32
      %dma_wait3A_172 = tpu.memref_slice %arg4[%dma_wait3A_170, %dma_wait3A_171] : memref<2600000x32xf32, #tpu.memory_space<hbm>> -> memref<2600000x32xf32, #tpu.memory_space<hbm>>
      tpu.wait_indirect_dma semaphore(%arg9 : memref<!tpu.dma_semaphore, #tpu.memory_space<semaphore_mem>>) src(%dma_wait3A_172 : memref<2600000x32xf32, #tpu.memory_space<hbm>>) dst(%dma_wait3A_168 : memref<128x32xf32, #tpu.memory_space<vmem>>)
      %dma_wait3A_173 = arith.constant 6 : i32
      %dma_wait3A_174 = arith.constant 0 : i32
      %dma_wait3A_175 = arith.constant 0 : i32
      %dma_wait3A_176 = tpu.memref_slice %arg8[%dma_wait3A_173, %dma_wait3A_174, %dma_wait3A_175] : memref<8x128x32xf32, #tpu.memory_space<vmem>> -> memref<1x128x32xf32, #tpu.memory_space<vmem>>
      %dma_wait3A_177 = tpu.memref_squeeze %dma_wait3A_176 : memref<1x128x32xf32, #tpu.memory_space<vmem>> -> memref<128x32xf32, #tpu.memory_space<vmem>>
      %dma_wait3A_178 = tpu.memref_slice %arg6[%mul3A_97] : memref<13312xi32, #tpu.memory_space<vmem>> -> memref<128xi32, #tpu.memory_space<vmem>>
      %dma_wait3A_179 = arith.constant 0 : i32
      %dma_wait3A_180 = arith.constant 0 : i32
      %dma_wait3A_181 = tpu.memref_slice %arg4[%dma_wait3A_179, %dma_wait3A_180] : memref<2600000x32xf32, #tpu.memory_space<hbm>> -> memref<2600000x32xf32, #tpu.memory_space<hbm>>
      tpu.wait_indirect_dma semaphore(%arg9 : memref<!tpu.dma_semaphore, #tpu.memory_space<semaphore_mem>>) src(%dma_wait3A_181 : memref<2600000x32xf32, #tpu.memory_space<hbm>>) dst(%dma_wait3A_177 : memref<128x32xf32, #tpu.memory_space<vmem>>)
      %dma_wait3A_182 = arith.constant 7 : i32
      %dma_wait3A_183 = arith.constant 0 : i32
      %dma_wait3A_184 = arith.constant 0 : i32
      %dma_wait3A_185 = tpu.memref_slice %arg8[%dma_wait3A_182, %dma_wait3A_183, %dma_wait3A_184] : memref<8x128x32xf32, #tpu.memory_space<vmem>> -> memref<1x128x32xf32, #tpu.memory_space<vmem>>
      %dma_wait3A_186 = tpu.memref_squeeze %dma_wait3A_185 : memref<1x128x32xf32, #tpu.memory_space<vmem>> -> memref<128x32xf32, #tpu.memory_space<vmem>>
      %dma_wait3A_187 = tpu.memref_slice %arg6[%mul3A_110] : memref<13312xi32, #tpu.memory_space<vmem>> -> memref<128xi32, #tpu.memory_space<vmem>>
      %dma_wait3A_188 = arith.constant 0 : i32
      %dma_wait3A_189 = arith.constant 0 : i32
      %dma_wait3A_190 = tpu.memref_slice %arg4[%dma_wait3A_188, %dma_wait3A_189] : memref<2600000x32xf32, #tpu.memory_space<hbm>> -> memref<2600000x32xf32, #tpu.memory_space<hbm>>
      tpu.wait_indirect_dma semaphore(%arg9 : memref<!tpu.dma_semaphore, #tpu.memory_space<semaphore_mem>>) src(%dma_wait3A_190 : memref<2600000x32xf32, #tpu.memory_space<hbm>>) dst(%dma_wait3A_186 : memref<128x32xf32, #tpu.memory_space<vmem>>)
      %add3A_191 = arith.constant 0 : i32
      %add3A_192 = arith.addi %mul3A_16, %add3A_191 : i32
      %mul3A_193 = arith.constant 128 : i32
      %mul3A_194 = arith.muli %add3A_192, %mul3A_193 : i32
      %add3A_195 = arith.addi %mul3A_2, %mul3A_194 : i32
      %run_scoped3A = arith.constant 0 : i32
      "tpu.region"() ({
        %run_scoped3A_238 = tpu.sem_alloc : memref<!tpu.dma_semaphore, #tpu.memory_space<semaphore_mem>>
        %dma_start3A_239 = arith.constant 0 : i32
        %dma_start3A_240 = arith.constant 0 : i32
        %dma_start3A_241 = tpu.memref_slice %arg8[%run_scoped3A, %dma_start3A_239, %dma_start3A_240] : memref<8x128x32xf32, #tpu.memory_space<vmem>> -> memref<1x128x32xf32, #tpu.memory_space<vmem>>
        %dma_start3A_242 = tpu.memref_squeeze %dma_start3A_241 : memref<1x128x32xf32, #tpu.memory_space<vmem>> -> memref<128x32xf32, #tpu.memory_space<vmem>>
        %dma_start3A_243 = arith.constant 0 : i32
        %dma_start3A_244 = tpu.memref_slice %arg5[%add3A_195, %dma_start3A_243] : memref<425984x32xf32, #tpu.memory_space<hbm>> -> memref<128x32xf32, #tpu.memory_space<hbm>>
        %dma_start3A_245 = arith.constant 0 : i32
        %dma_start3A_246 = tpu.memref_slice %arg5[%add3A_195, %dma_start3A_245] : memref<425984x32xf32, #tpu.memory_space<hbm>> -> memref<128x32xf32, #tpu.memory_space<hbm>>
        %dma_start3A_247 = arith.constant 0 : i32
        %dma_start3A_248 = arith.constant 0 : i32
        %dma_start3A_249 = tpu.memref_slice %arg8[%run_scoped3A, %dma_start3A_247, %dma_start3A_248] : memref<8x128x32xf32, #tpu.memory_space<vmem>> -> memref<1x128x32xf32, #tpu.memory_space<vmem>>
        %dma_start3A_250 = tpu.memref_squeeze %dma_start3A_249 : memref<1x128x32xf32, #tpu.memory_space<vmem>> -> memref<128x32xf32, #tpu.memory_space<vmem>>
        tpu.enqueue_dma source(%dma_start3A_250 : memref<128x32xf32, #tpu.memory_space<vmem>>) target(%dma_start3A_246 : memref<128x32xf32, #tpu.memory_space<hbm>>) target_semaphore(%run_scoped3A_238 : memref<!tpu.dma_semaphore, #tpu.memory_space<semaphore_mem>>)
        %dma_wait3A_251 = arith.constant 0 : i32
        %dma_wait3A_252 = arith.constant 0 : i32
        %dma_wait3A_253 = tpu.memref_slice %arg8[%run_scoped3A, %dma_wait3A_251, %dma_wait3A_252] : memref<8x128x32xf32, #tpu.memory_space<vmem>> -> memref<1x128x32xf32, #tpu.memory_space<vmem>>
        %dma_wait3A_254 = tpu.memref_squeeze %dma_wait3A_253 : memref<1x128x32xf32, #tpu.memory_space<vmem>> -> memref<128x32xf32, #tpu.memory_space<vmem>>
        %dma_wait3A_255 = arith.constant 0 : i32
        %dma_wait3A_256 = tpu.memref_slice %arg5[%add3A_195, %dma_wait3A_255] : memref<425984x32xf32, #tpu.memory_space<hbm>> -> memref<128x32xf32, #tpu.memory_space<hbm>>
        %dma_wait3A_257 = arith.constant 0 : i32
        %dma_wait3A_258 = tpu.memref_slice %arg5[%add3A_195, %dma_wait3A_257] : memref<425984x32xf32, #tpu.memory_space<hbm>> -> memref<128x32xf32, #tpu.memory_space<hbm>>
        %dma_wait3A_259 = arith.constant 0 : i32
        %dma_wait3A_260 = arith.constant 0 : i32
        %dma_wait3A_261 = tpu.memref_slice %arg8[%run_scoped3A, %dma_wait3A_259, %dma_wait3A_260] : memref<8x128x32xf32, #tpu.memory_space<vmem>> -> memref<1x128x32xf32, #tpu.memory_space<vmem>>
        %dma_wait3A_262 = tpu.memref_squeeze %dma_wait3A_261 : memref<1x128x32xf32, #tpu.memory_space<vmem>> -> memref<128x32xf32, #tpu.memory_space<vmem>>
        tpu.wait_dma2 semaphore(%run_scoped3A_238 : memref<!tpu.dma_semaphore, #tpu.memory_space<semaphore_mem>>) src(%dma_wait3A_262 : memref<128x32xf32, #tpu.memory_space<vmem>>) dst(%dma_wait3A_258 : memref<128x32xf32, #tpu.memory_space<hbm>>)
        tpu.yield
      }) : () -> ()
      %add3A_196 = arith.constant 1 : i32
      %add3A_197 = arith.addi %mul3A_16, %add3A_196 : i32
      %mul3A_198 = arith.constant 128 : i32
      %mul3A_199 = arith.muli %add3A_197, %mul3A_198 : i32
      %add3A_200 = arith.addi %mul3A_2, %mul3A_199 : i32
      %run_scoped3A_201 = arith.constant 1 : i32
      "tpu.region"() ({
        %run_scoped3A_238 = tpu.sem_alloc : memref<!tpu.dma_semaphore, #tpu.memory_space<semaphore_mem>>
        %dma_start3A_239 = arith.constant 0 : i32
        %dma_start3A_240 = arith.constant 0 : i32
        %dma_start3A_241 = tpu.memref_slice %arg8[%run_scoped3A_201, %dma_start3A_239, %dma_start3A_240] : memref<8x128x32xf32, #tpu.memory_space<vmem>> -> memref<1x128x32xf32, #tpu.memory_space<vmem>>
        %dma_start3A_242 = tpu.memref_squeeze %dma_start3A_241 : memref<1x128x32xf32, #tpu.memory_space<vmem>> -> memref<128x32xf32, #tpu.memory_space<vmem>>
        %dma_start3A_243 = arith.constant 0 : i32
        %dma_start3A_244 = tpu.memref_slice %arg5[%add3A_200, %dma_start3A_243] : memref<425984x32xf32, #tpu.memory_space<hbm>> -> memref<128x32xf32, #tpu.memory_space<hbm>>
        %dma_start3A_245 = arith.constant 0 : i32
        %dma_start3A_246 = tpu.memref_slice %arg5[%add3A_200, %dma_start3A_245] : memref<425984x32xf32, #tpu.memory_space<hbm>> -> memref<128x32xf32, #tpu.memory_space<hbm>>
        %dma_start3A_247 = arith.constant 0 : i32
        %dma_start3A_248 = arith.constant 0 : i32
        %dma_start3A_249 = tpu.memref_slice %arg8[%run_scoped3A_201, %dma_start3A_247, %dma_start3A_248] : memref<8x128x32xf32, #tpu.memory_space<vmem>> -> memref<1x128x32xf32, #tpu.memory_space<vmem>>
        %dma_start3A_250 = tpu.memref_squeeze %dma_start3A_249 : memref<1x128x32xf32, #tpu.memory_space<vmem>> -> memref<128x32xf32, #tpu.memory_space<vmem>>
        tpu.enqueue_dma source(%dma_start3A_250 : memref<128x32xf32, #tpu.memory_space<vmem>>) target(%dma_start3A_246 : memref<128x32xf32, #tpu.memory_space<hbm>>) target_semaphore(%run_scoped3A_238 : memref<!tpu.dma_semaphore, #tpu.memory_space<semaphore_mem>>)
        %dma_wait3A_251 = arith.constant 0 : i32
        %dma_wait3A_252 = arith.constant 0 : i32
        %dma_wait3A_253 = tpu.memref_slice %arg8[%run_scoped3A_201, %dma_wait3A_251, %dma_wait3A_252] : memref<8x128x32xf32, #tpu.memory_space<vmem>> -> memref<1x128x32xf32, #tpu.memory_space<vmem>>
        %dma_wait3A_254 = tpu.memref_squeeze %dma_wait3A_253 : memref<1x128x32xf32, #tpu.memory_space<vmem>> -> memref<128x32xf32, #tpu.memory_space<vmem>>
        %dma_wait3A_255 = arith.constant 0 : i32
        %dma_wait3A_256 = tpu.memref_slice %arg5[%add3A_200, %dma_wait3A_255] : memref<425984x32xf32, #tpu.memory_space<hbm>> -> memref<128x32xf32, #tpu.memory_space<hbm>>
        %dma_wait3A_257 = arith.constant 0 : i32
        %dma_wait3A_258 = tpu.memref_slice %arg5[%add3A_200, %dma_wait3A_257] : memref<425984x32xf32, #tpu.memory_space<hbm>> -> memref<128x32xf32, #tpu.memory_space<hbm>>
        %dma_wait3A_259 = arith.constant 0 : i32
        %dma_wait3A_260 = arith.constant 0 : i32
        %dma_wait3A_261 = tpu.memref_slice %arg8[%run_scoped3A_201, %dma_wait3A_259, %dma_wait3A_260] : memref<8x128x32xf32, #tpu.memory_space<vmem>> -> memref<1x128x32xf32, #tpu.memory_space<vmem>>
        %dma_wait3A_262 = tpu.memref_squeeze %dma_wait3A_261 : memref<1x128x32xf32, #tpu.memory_space<vmem>> -> memref<128x32xf32, #tpu.memory_space<vmem>>
        tpu.wait_dma2 semaphore(%run_scoped3A_238 : memref<!tpu.dma_semaphore, #tpu.memory_space<semaphore_mem>>) src(%dma_wait3A_262 : memref<128x32xf32, #tpu.memory_space<vmem>>) dst(%dma_wait3A_258 : memref<128x32xf32, #tpu.memory_space<hbm>>)
        tpu.yield
      }) : () -> ()
      %add3A_202 = arith.constant 2 : i32
      %add3A_203 = arith.addi %mul3A_16, %add3A_202 : i32
      %mul3A_204 = arith.constant 128 : i32
      %mul3A_205 = arith.muli %add3A_203, %mul3A_204 : i32
      %add3A_206 = arith.addi %mul3A_2, %mul3A_205 : i32
      %run_scoped3A_207 = arith.constant 2 : i32
      "tpu.region"() ({
        %run_scoped3A_238 = tpu.sem_alloc : memref<!tpu.dma_semaphore, #tpu.memory_space<semaphore_mem>>
        %dma_start3A_239 = arith.constant 0 : i32
        %dma_start3A_240 = arith.constant 0 : i32
        %dma_start3A_241 = tpu.memref_slice %arg8[%run_scoped3A_207, %dma_start3A_239, %dma_start3A_240] : memref<8x128x32xf32, #tpu.memory_space<vmem>> -> memref<1x128x32xf32, #tpu.memory_space<vmem>>
        %dma_start3A_242 = tpu.memref_squeeze %dma_start3A_241 : memref<1x128x32xf32, #tpu.memory_space<vmem>> -> memref<128x32xf32, #tpu.memory_space<vmem>>
        %dma_start3A_243 = arith.constant 0 : i32
        %dma_start3A_244 = tpu.memref_slice %arg5[%add3A_206, %dma_start3A_243] : memref<425984x32xf32, #tpu.memory_space<hbm>> -> memref<128x32xf32, #tpu.memory_space<hbm>>
        %dma_start3A_245 = arith.constant 0 : i32
        %dma_start3A_246 = tpu.memref_slice %arg5[%add3A_206, %dma_start3A_245] : memref<425984x32xf32, #tpu.memory_space<hbm>> -> memref<128x32xf32, #tpu.memory_space<hbm>>
        %dma_start3A_247 = arith.constant 0 : i32
        %dma_start3A_248 = arith.constant 0 : i32
        %dma_start3A_249 = tpu.memref_slice %arg8[%run_scoped3A_207, %dma_start3A_247, %dma_start3A_248] : memref<8x128x32xf32, #tpu.memory_space<vmem>> -> memref<1x128x32xf32, #tpu.memory_space<vmem>>
        %dma_start3A_250 = tpu.memref_squeeze %dma_start3A_249 : memref<1x128x32xf32, #tpu.memory_space<vmem>> -> memref<128x32xf32, #tpu.memory_space<vmem>>
        tpu.enqueue_dma source(%dma_start3A_250 : memref<128x32xf32, #tpu.memory_space<vmem>>) target(%dma_start3A_246 : memref<128x32xf32, #tpu.memory_space<hbm>>) target_semaphore(%run_scoped3A_238 : memref<!tpu.dma_semaphore, #tpu.memory_space<semaphore_mem>>)
        %dma_wait3A_251 = arith.constant 0 : i32
        %dma_wait3A_252 = arith.constant 0 : i32
        %dma_wait3A_253 = tpu.memref_slice %arg8[%run_scoped3A_207, %dma_wait3A_251, %dma_wait3A_252] : memref<8x128x32xf32, #tpu.memory_space<vmem>> -> memref<1x128x32xf32, #tpu.memory_space<vmem>>
        %dma_wait3A_254 = tpu.memref_squeeze %dma_wait3A_253 : memref<1x128x32xf32, #tpu.memory_space<vmem>> -> memref<128x32xf32, #tpu.memory_space<vmem>>
        %dma_wait3A_255 = arith.constant 0 : i32
        %dma_wait3A_256 = tpu.memref_slice %arg5[%add3A_206, %dma_wait3A_255] : memref<425984x32xf32, #tpu.memory_space<hbm>> -> memref<128x32xf32, #tpu.memory_space<hbm>>
        %dma_wait3A_257 = arith.constant 0 : i32
        %dma_wait3A_258 = tpu.memref_slice %arg5[%add3A_206, %dma_wait3A_257] : memref<425984x32xf32, #tpu.memory_space<hbm>> -> memref<128x32xf32, #tpu.memory_space<hbm>>
        %dma_wait3A_259 = arith.constant 0 : i32
        %dma_wait3A_260 = arith.constant 0 : i32
        %dma_wait3A_261 = tpu.memref_slice %arg8[%run_scoped3A_207, %dma_wait3A_259, %dma_wait3A_260] : memref<8x128x32xf32, #tpu.memory_space<vmem>> -> memref<1x128x32xf32, #tpu.memory_space<vmem>>
        %dma_wait3A_262 = tpu.memref_squeeze %dma_wait3A_261 : memref<1x128x32xf32, #tpu.memory_space<vmem>> -> memref<128x32xf32, #tpu.memory_space<vmem>>
        tpu.wait_dma2 semaphore(%run_scoped3A_238 : memref<!tpu.dma_semaphore, #tpu.memory_space<semaphore_mem>>) src(%dma_wait3A_262 : memref<128x32xf32, #tpu.memory_space<vmem>>) dst(%dma_wait3A_258 : memref<128x32xf32, #tpu.memory_space<hbm>>)
        tpu.yield
      }) : () -> ()
      %add3A_208 = arith.constant 3 : i32
      %add3A_209 = arith.addi %mul3A_16, %add3A_208 : i32
      %mul3A_210 = arith.constant 128 : i32
      %mul3A_211 = arith.muli %add3A_209, %mul3A_210 : i32
      %add3A_212 = arith.addi %mul3A_2, %mul3A_211 : i32
      %run_scoped3A_213 = arith.constant 3 : i32
      "tpu.region"() ({
        %run_scoped3A_238 = tpu.sem_alloc : memref<!tpu.dma_semaphore, #tpu.memory_space<semaphore_mem>>
        %dma_start3A_239 = arith.constant 0 : i32
        %dma_start3A_240 = arith.constant 0 : i32
        %dma_start3A_241 = tpu.memref_slice %arg8[%run_scoped3A_213, %dma_start3A_239, %dma_start3A_240] : memref<8x128x32xf32, #tpu.memory_space<vmem>> -> memref<1x128x32xf32, #tpu.memory_space<vmem>>
        %dma_start3A_242 = tpu.memref_squeeze %dma_start3A_241 : memref<1x128x32xf32, #tpu.memory_space<vmem>> -> memref<128x32xf32, #tpu.memory_space<vmem>>
        %dma_start3A_243 = arith.constant 0 : i32
        %dma_start3A_244 = tpu.memref_slice %arg5[%add3A_212, %dma_start3A_243] : memref<425984x32xf32, #tpu.memory_space<hbm>> -> memref<128x32xf32, #tpu.memory_space<hbm>>
        %dma_start3A_245 = arith.constant 0 : i32
        %dma_start3A_246 = tpu.memref_slice %arg5[%add3A_212, %dma_start3A_245] : memref<425984x32xf32, #tpu.memory_space<hbm>> -> memref<128x32xf32, #tpu.memory_space<hbm>>
        %dma_start3A_247 = arith.constant 0 : i32
        %dma_start3A_248 = arith.constant 0 : i32
        %dma_start3A_249 = tpu.memref_slice %arg8[%run_scoped3A_213, %dma_start3A_247, %dma_start3A_248] : memref<8x128x32xf32, #tpu.memory_space<vmem>> -> memref<1x128x32xf32, #tpu.memory_space<vmem>>
        %dma_start3A_250 = tpu.memref_squeeze %dma_start3A_249 : memref<1x128x32xf32, #tpu.memory_space<vmem>> -> memref<128x32xf32, #tpu.memory_space<vmem>>
        tpu.enqueue_dma source(%dma_start3A_250 : memref<128x32xf32, #tpu.memory_space<vmem>>) target(%dma_start3A_246 : memref<128x32xf32, #tpu.memory_space<hbm>>) target_semaphore(%run_scoped3A_238 : memref<!tpu.dma_semaphore, #tpu.memory_space<semaphore_mem>>)
        %dma_wait3A_251 = arith.constant 0 : i32
        %dma_wait3A_252 = arith.constant 0 : i32
        %dma_wait3A_253 = tpu.memref_slice %arg8[%run_scoped3A_213, %dma_wait3A_251, %dma_wait3A_252] : memref<8x128x32xf32, #tpu.memory_space<vmem>> -> memref<1x128x32xf32, #tpu.memory_space<vmem>>
        %dma_wait3A_254 = tpu.memref_squeeze %dma_wait3A_253 : memref<1x128x32xf32, #tpu.memory_space<vmem>> -> memref<128x32xf32, #tpu.memory_space<vmem>>
        %dma_wait3A_255 = arith.constant 0 : i32
        %dma_wait3A_256 = tpu.memref_slice %arg5[%add3A_212, %dma_wait3A_255] : memref<425984x32xf32, #tpu.memory_space<hbm>> -> memref<128x32xf32, #tpu.memory_space<hbm>>
        %dma_wait3A_257 = arith.constant 0 : i32
        %dma_wait3A_258 = tpu.memref_slice %arg5[%add3A_212, %dma_wait3A_257] : memref<425984x32xf32, #tpu.memory_space<hbm>> -> memref<128x32xf32, #tpu.memory_space<hbm>>
        %dma_wait3A_259 = arith.constant 0 : i32
        %dma_wait3A_260 = arith.constant 0 : i32
        %dma_wait3A_261 = tpu.memref_slice %arg8[%run_scoped3A_213, %dma_wait3A_259, %dma_wait3A_260] : memref<8x128x32xf32, #tpu.memory_space<vmem>> -> memref<1x128x32xf32, #tpu.memory_space<vmem>>
        %dma_wait3A_262 = tpu.memref_squeeze %dma_wait3A_261 : memref<1x128x32xf32, #tpu.memory_space<vmem>> -> memref<128x32xf32, #tpu.memory_space<vmem>>
        tpu.wait_dma2 semaphore(%run_scoped3A_238 : memref<!tpu.dma_semaphore, #tpu.memory_space<semaphore_mem>>) src(%dma_wait3A_262 : memref<128x32xf32, #tpu.memory_space<vmem>>) dst(%dma_wait3A_258 : memref<128x32xf32, #tpu.memory_space<hbm>>)
        tpu.yield
      }) : () -> ()
      %add3A_214 = arith.constant 4 : i32
      %add3A_215 = arith.addi %mul3A_16, %add3A_214 : i32
      %mul3A_216 = arith.constant 128 : i32
      %mul3A_217 = arith.muli %add3A_215, %mul3A_216 : i32
      %add3A_218 = arith.addi %mul3A_2, %mul3A_217 : i32
      %run_scoped3A_219 = arith.constant 4 : i32
      "tpu.region"() ({
        %run_scoped3A_238 = tpu.sem_alloc : memref<!tpu.dma_semaphore, #tpu.memory_space<semaphore_mem>>
        %dma_start3A_239 = arith.constant 0 : i32
        %dma_start3A_240 = arith.constant 0 : i32
        %dma_start3A_241 = tpu.memref_slice %arg8[%run_scoped3A_219, %dma_start3A_239, %dma_start3A_240] : memref<8x128x32xf32, #tpu.memory_space<vmem>> -> memref<1x128x32xf32, #tpu.memory_space<vmem>>
        %dma_start3A_242 = tpu.memref_squeeze %dma_start3A_241 : memref<1x128x32xf32, #tpu.memory_space<vmem>> -> memref<128x32xf32, #tpu.memory_space<vmem>>
        %dma_start3A_243 = arith.constant 0 : i32
        %dma_start3A_244 = tpu.memref_slice %arg5[%add3A_218, %dma_start3A_243] : memref<425984x32xf32, #tpu.memory_space<hbm>> -> memref<128x32xf32, #tpu.memory_space<hbm>>
        %dma_start3A_245 = arith.constant 0 : i32
        %dma_start3A_246 = tpu.memref_slice %arg5[%add3A_218, %dma_start3A_245] : memref<425984x32xf32, #tpu.memory_space<hbm>> -> memref<128x32xf32, #tpu.memory_space<hbm>>
        %dma_start3A_247 = arith.constant 0 : i32
        %dma_start3A_248 = arith.constant 0 : i32
        %dma_start3A_249 = tpu.memref_slice %arg8[%run_scoped3A_219, %dma_start3A_247, %dma_start3A_248] : memref<8x128x32xf32, #tpu.memory_space<vmem>> -> memref<1x128x32xf32, #tpu.memory_space<vmem>>
        %dma_start3A_250 = tpu.memref_squeeze %dma_start3A_249 : memref<1x128x32xf32, #tpu.memory_space<vmem>> -> memref<128x32xf32, #tpu.memory_space<vmem>>
        tpu.enqueue_dma source(%dma_start3A_250 : memref<128x32xf32, #tpu.memory_space<vmem>>) target(%dma_start3A_246 : memref<128x32xf32, #tpu.memory_space<hbm>>) target_semaphore(%run_scoped3A_238 : memref<!tpu.dma_semaphore, #tpu.memory_space<semaphore_mem>>)
        %dma_wait3A_251 = arith.constant 0 : i32
        %dma_wait3A_252 = arith.constant 0 : i32
        %dma_wait3A_253 = tpu.memref_slice %arg8[%run_scoped3A_219, %dma_wait3A_251, %dma_wait3A_252] : memref<8x128x32xf32, #tpu.memory_space<vmem>> -> memref<1x128x32xf32, #tpu.memory_space<vmem>>
        %dma_wait3A_254 = tpu.memref_squeeze %dma_wait3A_253 : memref<1x128x32xf32, #tpu.memory_space<vmem>> -> memref<128x32xf32, #tpu.memory_space<vmem>>
        %dma_wait3A_255 = arith.constant 0 : i32
        %dma_wait3A_256 = tpu.memref_slice %arg5[%add3A_218, %dma_wait3A_255] : memref<425984x32xf32, #tpu.memory_space<hbm>> -> memref<128x32xf32, #tpu.memory_space<hbm>>
        %dma_wait3A_257 = arith.constant 0 : i32
        %dma_wait3A_258 = tpu.memref_slice %arg5[%add3A_218, %dma_wait3A_257] : memref<425984x32xf32, #tpu.memory_space<hbm>> -> memref<128x32xf32, #tpu.memory_space<hbm>>
        %dma_wait3A_259 = arith.constant 0 : i32
        %dma_wait3A_260 = arith.constant 0 : i32
        %dma_wait3A_261 = tpu.memref_slice %arg8[%run_scoped3A_219, %dma_wait3A_259, %dma_wait3A_260] : memref<8x128x32xf32, #tpu.memory_space<vmem>> -> memref<1x128x32xf32, #tpu.memory_space<vmem>>
        %dma_wait3A_262 = tpu.memref_squeeze %dma_wait3A_261 : memref<1x128x32xf32, #tpu.memory_space<vmem>> -> memref<128x32xf32, #tpu.memory_space<vmem>>
        tpu.wait_dma2 semaphore(%run_scoped3A_238 : memref<!tpu.dma_semaphore, #tpu.memory_space<semaphore_mem>>) src(%dma_wait3A_262 : memref<128x32xf32, #tpu.memory_space<vmem>>) dst(%dma_wait3A_258 : memref<128x32xf32, #tpu.memory_space<hbm>>)
        tpu.yield
      }) : () -> ()
      %add3A_220 = arith.constant 5 : i32
      %add3A_221 = arith.addi %mul3A_16, %add3A_220 : i32
      %mul3A_222 = arith.constant 128 : i32
      %mul3A_223 = arith.muli %add3A_221, %mul3A_222 : i32
      %add3A_224 = arith.addi %mul3A_2, %mul3A_223 : i32
      %run_scoped3A_225 = arith.constant 5 : i32
      "tpu.region"() ({
        %run_scoped3A_238 = tpu.sem_alloc : memref<!tpu.dma_semaphore, #tpu.memory_space<semaphore_mem>>
        %dma_start3A_239 = arith.constant 0 : i32
        %dma_start3A_240 = arith.constant 0 : i32
        %dma_start3A_241 = tpu.memref_slice %arg8[%run_scoped3A_225, %dma_start3A_239, %dma_start3A_240] : memref<8x128x32xf32, #tpu.memory_space<vmem>> -> memref<1x128x32xf32, #tpu.memory_space<vmem>>
        %dma_start3A_242 = tpu.memref_squeeze %dma_start3A_241 : memref<1x128x32xf32, #tpu.memory_space<vmem>> -> memref<128x32xf32, #tpu.memory_space<vmem>>
        %dma_start3A_243 = arith.constant 0 : i32
        %dma_start3A_244 = tpu.memref_slice %arg5[%add3A_224, %dma_start3A_243] : memref<425984x32xf32, #tpu.memory_space<hbm>> -> memref<128x32xf32, #tpu.memory_space<hbm>>
        %dma_start3A_245 = arith.constant 0 : i32
        %dma_start3A_246 = tpu.memref_slice %arg5[%add3A_224, %dma_start3A_245] : memref<425984x32xf32, #tpu.memory_space<hbm>> -> memref<128x32xf32, #tpu.memory_space<hbm>>
        %dma_start3A_247 = arith.constant 0 : i32
        %dma_start3A_248 = arith.constant 0 : i32
        %dma_start3A_249 = tpu.memref_slice %arg8[%run_scoped3A_225, %dma_start3A_247, %dma_start3A_248] : memref<8x128x32xf32, #tpu.memory_space<vmem>> -> memref<1x128x32xf32, #tpu.memory_space<vmem>>
        %dma_start3A_250 = tpu.memref_squeeze %dma_start3A_249 : memref<1x128x32xf32, #tpu.memory_space<vmem>> -> memref<128x32xf32, #tpu.memory_space<vmem>>
        tpu.enqueue_dma source(%dma_start3A_250 : memref<128x32xf32, #tpu.memory_space<vmem>>) target(%dma_start3A_246 : memref<128x32xf32, #tpu.memory_space<hbm>>) target_semaphore(%run_scoped3A_238 : memref<!tpu.dma_semaphore, #tpu.memory_space<semaphore_mem>>)
        %dma_wait3A_251 = arith.constant 0 : i32
        %dma_wait3A_252 = arith.constant 0 : i32
        %dma_wait3A_253 = tpu.memref_slice %arg8[%run_scoped3A_225, %dma_wait3A_251, %dma_wait3A_252] : memref<8x128x32xf32, #tpu.memory_space<vmem>> -> memref<1x128x32xf32, #tpu.memory_space<vmem>>
        %dma_wait3A_254 = tpu.memref_squeeze %dma_wait3A_253 : memref<1x128x32xf32, #tpu.memory_space<vmem>> -> memref<128x32xf32, #tpu.memory_space<vmem>>
        %dma_wait3A_255 = arith.constant 0 : i32
        %dma_wait3A_256 = tpu.memref_slice %arg5[%add3A_224, %dma_wait3A_255] : memref<425984x32xf32, #tpu.memory_space<hbm>> -> memref<128x32xf32, #tpu.memory_space<hbm>>
        %dma_wait3A_257 = arith.constant 0 : i32
        %dma_wait3A_258 = tpu.memref_slice %arg5[%add3A_224, %dma_wait3A_257] : memref<425984x32xf32, #tpu.memory_space<hbm>> -> memref<128x32xf32, #tpu.memory_space<hbm>>
        %dma_wait3A_259 = arith.constant 0 : i32
        %dma_wait3A_260 = arith.constant 0 : i32
        %dma_wait3A_261 = tpu.memref_slice %arg8[%run_scoped3A_225, %dma_wait3A_259, %dma_wait3A_260] : memref<8x128x32xf32, #tpu.memory_space<vmem>> -> memref<1x128x32xf32, #tpu.memory_space<vmem>>
        %dma_wait3A_262 = tpu.memref_squeeze %dma_wait3A_261 : memref<1x128x32xf32, #tpu.memory_space<vmem>> -> memref<128x32xf32, #tpu.memory_space<vmem>>
        tpu.wait_dma2 semaphore(%run_scoped3A_238 : memref<!tpu.dma_semaphore, #tpu.memory_space<semaphore_mem>>) src(%dma_wait3A_262 : memref<128x32xf32, #tpu.memory_space<vmem>>) dst(%dma_wait3A_258 : memref<128x32xf32, #tpu.memory_space<hbm>>)
        tpu.yield
      }) : () -> ()
      %add3A_226 = arith.constant 6 : i32
      %add3A_227 = arith.addi %mul3A_16, %add3A_226 : i32
      %mul3A_228 = arith.constant 128 : i32
      %mul3A_229 = arith.muli %add3A_227, %mul3A_228 : i32
      %add3A_230 = arith.addi %mul3A_2, %mul3A_229 : i32
      %run_scoped3A_231 = arith.constant 6 : i32
      "tpu.region"() ({
        %run_scoped3A_238 = tpu.sem_alloc : memref<!tpu.dma_semaphore, #tpu.memory_space<semaphore_mem>>
        %dma_start3A_239 = arith.constant 0 : i32
        %dma_start3A_240 = arith.constant 0 : i32
        %dma_start3A_241 = tpu.memref_slice %arg8[%run_scoped3A_231, %dma_start3A_239, %dma_start3A_240] : memref<8x128x32xf32, #tpu.memory_space<vmem>> -> memref<1x128x32xf32, #tpu.memory_space<vmem>>
        %dma_start3A_242 = tpu.memref_squeeze %dma_start3A_241 : memref<1x128x32xf32, #tpu.memory_space<vmem>> -> memref<128x32xf32, #tpu.memory_space<vmem>>
        %dma_start3A_243 = arith.constant 0 : i32
        %dma_start3A_244 = tpu.memref_slice %arg5[%add3A_230, %dma_start3A_243] : memref<425984x32xf32, #tpu.memory_space<hbm>> -> memref<128x32xf32, #tpu.memory_space<hbm>>
        %dma_start3A_245 = arith.constant 0 : i32
        %dma_start3A_246 = tpu.memref_slice %arg5[%add3A_230, %dma_start3A_245] : memref<425984x32xf32, #tpu.memory_space<hbm>> -> memref<128x32xf32, #tpu.memory_space<hbm>>
        %dma_start3A_247 = arith.constant 0 : i32
        %dma_start3A_248 = arith.constant 0 : i32
        %dma_start3A_249 = tpu.memref_slice %arg8[%run_scoped3A_231, %dma_start3A_247, %dma_start3A_248] : memref<8x128x32xf32, #tpu.memory_space<vmem>> -> memref<1x128x32xf32, #tpu.memory_space<vmem>>
        %dma_start3A_250 = tpu.memref_squeeze %dma_start3A_249 : memref<1x128x32xf32, #tpu.memory_space<vmem>> -> memref<128x32xf32, #tpu.memory_space<vmem>>
        tpu.enqueue_dma source(%dma_start3A_250 : memref<128x32xf32, #tpu.memory_space<vmem>>) target(%dma_start3A_246 : memref<128x32xf32, #tpu.memory_space<hbm>>) target_semaphore(%run_scoped3A_238 : memref<!tpu.dma_semaphore, #tpu.memory_space<semaphore_mem>>)
        %dma_wait3A_251 = arith.constant 0 : i32
        %dma_wait3A_252 = arith.constant 0 : i32
        %dma_wait3A_253 = tpu.memref_slice %arg8[%run_scoped3A_231, %dma_wait3A_251, %dma_wait3A_252] : memref<8x128x32xf32, #tpu.memory_space<vmem>> -> memref<1x128x32xf32, #tpu.memory_space<vmem>>
        %dma_wait3A_254 = tpu.memref_squeeze %dma_wait3A_253 : memref<1x128x32xf32, #tpu.memory_space<vmem>> -> memref<128x32xf32, #tpu.memory_space<vmem>>
        %dma_wait3A_255 = arith.constant 0 : i32
        %dma_wait3A_256 = tpu.memref_slice %arg5[%add3A_230, %dma_wait3A_255] : memref<425984x32xf32, #tpu.memory_space<hbm>> -> memref<128x32xf32, #tpu.memory_space<hbm>>
        %dma_wait3A_257 = arith.constant 0 : i32
        %dma_wait3A_258 = tpu.memref_slice %arg5[%add3A_230, %dma_wait3A_257] : memref<425984x32xf32, #tpu.memory_space<hbm>> -> memref<128x32xf32, #tpu.memory_space<hbm>>
        %dma_wait3A_259 = arith.constant 0 : i32
        %dma_wait3A_260 = arith.constant 0 : i32
        %dma_wait3A_261 = tpu.memref_slice %arg8[%run_scoped3A_231, %dma_wait3A_259, %dma_wait3A_260] : memref<8x128x32xf32, #tpu.memory_space<vmem>> -> memref<1x128x32xf32, #tpu.memory_space<vmem>>
        %dma_wait3A_262 = tpu.memref_squeeze %dma_wait3A_261 : memref<1x128x32xf32, #tpu.memory_space<vmem>> -> memref<128x32xf32, #tpu.memory_space<vmem>>
        tpu.wait_dma2 semaphore(%run_scoped3A_238 : memref<!tpu.dma_semaphore, #tpu.memory_space<semaphore_mem>>) src(%dma_wait3A_262 : memref<128x32xf32, #tpu.memory_space<vmem>>) dst(%dma_wait3A_258 : memref<128x32xf32, #tpu.memory_space<hbm>>)
        tpu.yield
      }) : () -> ()
      %add3A_232 = arith.constant 7 : i32
      %add3A_233 = arith.addi %mul3A_16, %add3A_232 : i32
      %mul3A_234 = arith.constant 128 : i32
      %mul3A_235 = arith.muli %add3A_233, %mul3A_234 : i32
      %add3A_236 = arith.addi %mul3A_2, %mul3A_235 : i32
      %run_scoped3A_237 = arith.constant 7 : i32
      "tpu.region"() ({
        %run_scoped3A_238 = tpu.sem_alloc : memref<!tpu.dma_semaphore, #tpu.memory_space<semaphore_mem>>
        %dma_start3A_239 = arith.constant 0 : i32
        %dma_start3A_240 = arith.constant 0 : i32
        %dma_start3A_241 = tpu.memref_slice %arg8[%run_scoped3A_237, %dma_start3A_239, %dma_start3A_240] : memref<8x128x32xf32, #tpu.memory_space<vmem>> -> memref<1x128x32xf32, #tpu.memory_space<vmem>>
        %dma_start3A_242 = tpu.memref_squeeze %dma_start3A_241 : memref<1x128x32xf32, #tpu.memory_space<vmem>> -> memref<128x32xf32, #tpu.memory_space<vmem>>
        %dma_start3A_243 = arith.constant 0 : i32
        %dma_start3A_244 = tpu.memref_slice %arg5[%add3A_236, %dma_start3A_243] : memref<425984x32xf32, #tpu.memory_space<hbm>> -> memref<128x32xf32, #tpu.memory_space<hbm>>
        %dma_start3A_245 = arith.constant 0 : i32
        %dma_start3A_246 = tpu.memref_slice %arg5[%add3A_236, %dma_start3A_245] : memref<425984x32xf32, #tpu.memory_space<hbm>> -> memref<128x32xf32, #tpu.memory_space<hbm>>
        %dma_start3A_247 = arith.constant 0 : i32
        %dma_start3A_248 = arith.constant 0 : i32
        %dma_start3A_249 = tpu.memref_slice %arg8[%run_scoped3A_237, %dma_start3A_247, %dma_start3A_248] : memref<8x128x32xf32, #tpu.memory_space<vmem>> -> memref<1x128x32xf32, #tpu.memory_space<vmem>>
        %dma_start3A_250 = tpu.memref_squeeze %dma_start3A_249 : memref<1x128x32xf32, #tpu.memory_space<vmem>> -> memref<128x32xf32, #tpu.memory_space<vmem>>
        tpu.enqueue_dma source(%dma_start3A_250 : memref<128x32xf32, #tpu.memory_space<vmem>>) target(%dma_start3A_246 : memref<128x32xf32, #tpu.memory_space<hbm>>) target_semaphore(%run_scoped3A_238 : memref<!tpu.dma_semaphore, #tpu.memory_space<semaphore_mem>>)
        %dma_wait3A_251 = arith.constant 0 : i32
        %dma_wait3A_252 = arith.constant 0 : i32
        %dma_wait3A_253 = tpu.memref_slice %arg8[%run_scoped3A_237, %dma_wait3A_251, %dma_wait3A_252] : memref<8x128x32xf32, #tpu.memory_space<vmem>> -> memref<1x128x32xf32, #tpu.memory_space<vmem>>
        %dma_wait3A_254 = tpu.memref_squeeze %dma_wait3A_253 : memref<1x128x32xf32, #tpu.memory_space<vmem>> -> memref<128x32xf32, #tpu.memory_space<vmem>>
        %dma_wait3A_255 = arith.constant 0 : i32
        %dma_wait3A_256 = tpu.memref_slice %arg5[%add3A_236, %dma_wait3A_255] : memref<425984x32xf32, #tpu.memory_space<hbm>> -> memref<128x32xf32, #tpu.memory_space<hbm>>
        %dma_wait3A_257 = arith.constant 0 : i32
        %dma_wait3A_258 = tpu.memref_slice %arg5[%add3A_236, %dma_wait3A_257] : memref<425984x32xf32, #tpu.memory_space<hbm>> -> memref<128x32xf32, #tpu.memory_space<hbm>>
        %dma_wait3A_259 = arith.constant 0 : i32
        %dma_wait3A_260 = arith.constant 0 : i32
        %dma_wait3A_261 = tpu.memref_slice %arg8[%run_scoped3A_237, %dma_wait3A_259, %dma_wait3A_260] : memref<8x128x32xf32, #tpu.memory_space<vmem>> -> memref<1x128x32xf32, #tpu.memory_space<vmem>>
        %dma_wait3A_262 = tpu.memref_squeeze %dma_wait3A_261 : memref<1x128x32xf32, #tpu.memory_space<vmem>> -> memref<128x32xf32, #tpu.memory_space<vmem>>
        tpu.wait_dma2 semaphore(%run_scoped3A_238 : memref<!tpu.dma_semaphore, #tpu.memory_space<semaphore_mem>>) src(%dma_wait3A_262 : memref<128x32xf32, #tpu.memory_space<vmem>>) dst(%dma_wait3A_258 : memref<128x32xf32, #tpu.memory_space<hbm>>)
        tpu.yield
      }) : () -> ()
    }
    %scan3A_13 = arith.constant 13 : i32
    return
  }
}

</mosaic_0001>

<sc_bundles>
// kernel: kernel.3.cloned.1.call-start
scs
__scs_entry_jumppad:
0x0: {  	(pc) =	sbr.rel $0x88, $3  }
0x1: {  	(tag) =	ssettag $0x0;
	lr =	simm.s32 $0x1  }
0x2: {  	[smem:$0x3F9E] =	sst lr;
	_ =	strace $0xD0000000  }
0x3: {  	_ = 	snop  }
0x4: {  	_ = 	snop  }
0x5: {  	_ = 	snop  }
0x6: {  	_ = 	snop  }
0x7: {  	_ = 	snop  }
__scs_overlays_trampoline_lowered:
0x8: {  	[smem:$0x3FAD] =	sst s0  }
0x9: {  	[smem:$0x3FAE] =	sst s1  }
0xa: {  	[smem:$0x3FAF] =	sst s2  }
0xb: {  	[smem:$0x3FB0] =	sst s3  }
0xc: {  	[smem:$0x3FB1] =	sst s4  }
0xd: {  	[smem:$0x3FB2] =	sst s5  }
0xe: {  	[smem:$0x3FB3] =	sst s6  }
0xf: {  	[smem:$0x3FB4] =	sst s7  }
0x10: {  	[smem:$0x3FB5] =	sst s8  }
0x11: {  	[smem:$0x3FB6] =	sst s9;
	s0 =	simm.s32 @!p0 $0x0  }
0x12: {  	s1 =	sld [smem:$0x3F9C];
	s0 =	simm.s32 @p0 $0x1  }
0x13: {  	[smem:$0x3FB7] =	sst s0;
	s0 =	simm.s32 @!p1 $0x0  }
0x14: {  	s2 =	sld [smem:$0x3F9B];
	s0 =	simm.s32 @p1 $0x1  }
0x15: {  	[smem:$0x3FB8] =	sst s0;
	s0 =	simm.s32 @!p2 $0x0  }
0x16: {  	s3 =	sld [smem:$0x3FDB];
	s0 =	simm.s32 @p2 $0x1  }
0x17: {  	s4 =	simm.s32 $0x1BF5;
	[smem:$0x3FBA] =	sst s0  }
0x18: {  	s0 =	sld [smem:$0x3F9D];
	_ =	swait.ge [sflag:s4], $0x0  }
0x19: {  	s7 =	sld [smem:$0x3F9E]  }
0x1a: {  	s8 =	sadd.s32 $0xFFFFE003, lr  }
0x1b: {  	s9 =	sadd.s32 $0xFFFFFEF7, lr;
	s5 =	simm.s32 $0xFFFFFFFF;
	p2 =	slt.u32 s8, $0xFFFFF086  }
0x1c: {  	p1 =	slt.u32 s9, $0xF7A;
	s5 =	simm.s32 @!p2 $0x0  }
0x1d: {  	s5 =	simm.s32 @p1 $0x1;
	p0 =	seq.s32 s7, s2  }
0x1e: {  	s7 =	smul.u32 @!p0 $0xF7A, s2;
	p2 =	seq.s32 @!p0 s5, $0x0  }
0x1f: {  	s9 =	smul.u32 $0xF7A, s1;
	s8 =	simm.s32 @!p0 $0x1BF5;
	p2 =	por !p2, p0  }
0x20: {  	[sflag:s8] =	ssyncset.s32 @!p0 $0xFFFFF086;
	s6 =	sadd.s32 @!p0 s3, s7;
	s7 =	simm.s32 @!p0 $0x108  }
0x21: {  	s3 =	sadd.s32 s3, s9;
	s6 =	sadd.s32 @!p0 $0x88, s6;
	s7 =	simm.s32 @p2 $0x1082  }
0x22: {  	[simem:s7], [sflag:s8] =	dma.local @!p0 [hbm:s6], $0xF7A  }
0x23: {  	s9 =	sor.u32 $0xD0000000, s2;
	s6 =	simm.s32 $0x108;
	_ =	swait.ge @!p0 [sflag:s8], $0x0  }
0x24: {  	s3 =	sadd.s32 $0x88, s3;
	s6 =	simm.s32 @!p1 $0x1082;
	[sflag:s4] =	ssyncset.s32 $0xFFFFF086  }
0x25: {  	[simem:s6], [sflag:s4] =	dma.local [hbm:s3], $0xF7A  }
0x26: {  	[smem:$0x3F9E] =	sst s1;
	(tag) =	ssettag s2;
	_ =	strace s9  }
0x27: {  	s1 =	sld [smem:$0x3FAE]  }
0x28: {  	s2 =	sld [smem:$0x3FAF]  }
0x29: {  	s4 =	sld [smem:$0x3FB1]  }
0x2a: {  	p0 =	seq.s32 s5, $0x0;
	s5 =	sld [smem:$0x3FB2]  }
0x2b: {  	s6 =	sld [smem:$0x3FB3]  }
0x2c: {  	s7 =	sld [smem:$0x3FB4]  }
0x2d: {  	s3 =	simm.s32 $0x108;
	s8 =	sld [smem:$0x3FB5]  }
0x2e: {  	s3 =	simm.s32 @!p0 $0x1082;
	s9 =	sld [smem:$0x3FB6]  }
0x2f: {  	lr =	sadd.s32 s0, s3;
	s0 =	sld [smem:$0x3FAD]  }
0x30: {  	s3 =	sld [smem:$0x3FB0]  }
0x31: {  	[smem:$0x3FB9] =	sst s10  }
0x32: {  	s10 =	sld [smem:$0x3FB7];
	_ =	sdelay $0x3  }
0x33: {  	p0 =	seq.s32 s10, $0x1;
	s10 =	sld [smem:$0x3FB9];
	_ =	sdelay $0x3  }
0x34: {  	[smem:$0x3FB9] =	sst s10  }
0x35: {  	s10 =	sld [smem:$0x3FB8];
	_ =	sdelay $0x3  }
0x36: {  	p1 =	seq.s32 s10, $0x1;
	s10 =	sld [smem:$0x3FB9];
	_ =	sdelay $0x3  }
0x37: {  	[smem:$0x3FB9] =	sst s10  }
0x38: {  	s10 =	sld [smem:$0x3FBA]  }
0x39: {  	_ = 	snop;
	(pc) =	sbr.ind lr, $3  }
0x3a: {  	_ = 	snop  }
0x3b: {  	_ = 	snop  }
0x3c: {  	p2 =	seq.s32 s10, $0x1;
	s10 =	sld [smem:$0x3FB9]  }
0x3d: {  	_ =	shalt  }
0x3e: {  	_ =	shalt  }
0x3f: {  	_ =	shalt  }
0x40: {  	_ =	shalt  }
0x41: {  	_ =	shalt  }
0x42: {  	_ =	shalt  }
0x43: {  	_ =	shalt  }
0x44: {  	_ =	shalt  }
0x45: {  	_ =	shalt  }
0x46: {  	_ =	shalt  }
0x47: {  	_ =	shalt  }
0x48: {  	_ =	shalt  }
0x49: {  	_ =	shalt  }
0x4a: {  	_ =	shalt  }
0x4b: {  	_ =	shalt  }
0x4c: {  	_ =	shalt  }
0x4d: {  	_ =	shalt  }
0x4e: {  	_ =	shalt  }
0x4f: {  	_ =	shalt  }
0x50: {  	_ =	shalt  }
0x51: {  	_ =	shalt  }
0x52: {  	_ =	shalt  }
0x53: {  	_ =	shalt  }
0x54: {  	_ =	shalt  }
0x55: {  	_ =	shalt  }
0x56: {  	_ =	shalt  }
0x57: {  	_ =	shalt  }
0x58: {  	_ =	shalt  }
0x59: {  	_ =	shalt  }
0x5a: {  	_ =	shalt  }
0x5b: {  	_ =	shalt  }
0x5c: {  	_ =	shalt  }
0x5d: {  	_ =	shalt  }
0x5e: {  	_ =	shalt  }
0x5f: {  	_ =	shalt  }
0x60: {  	_ =	shalt  }
0x61: {  	_ =	shalt  }
0x62: {  	_ =	shalt  }
0x63: {  	_ =	shalt  }
0x64: {  	_ =	shalt  }
0x65: {  	_ =	shalt  }
0x66: {  	_ =	shalt  }
0x67: {  	_ =	shalt  }
0x68: {  	_ =	shalt  }
0x69: {  	_ =	shalt  }
0x6a: {  	_ =	shalt  }
0x6b: {  	_ =	shalt  }
0x6c: {  	_ =	shalt  }
0x6d: {  	_ =	shalt  }
0x6e: {  	_ =	shalt  }
0x6f: {  	_ =	shalt  }
0x70: {  	_ =	shalt  }
0x71: {  	_ =	shalt  }
0x72: {  	_ =	shalt  }
0x73: {  	_ =	shalt  }
0x74: {  	_ =	shalt  }
0x75: {  	_ =	shalt  }
0x76: {  	_ =	shalt  }
0x77: {  	_ =	shalt  }
0x78: {  	_ =	shalt  }
0x79: {  	_ =	shalt  }
0x7a: {  	_ =	shalt  }
0x7b: {  	_ =	shalt  }
0x7c: {  	_ =	shalt  }
0x7d: {  	_ =	shalt  }
0x7e: {  	_ =	shalt  }
0x7f: {  	_ =	shalt  }
0x80: {  	_ =	shalt  }
0x81: {  	_ =	shalt  }
0x82: {  	_ =	shalt  }
0x83: {  	_ =	shalt  }
0x84: {  	_ =	shalt  }
0x85: {  	_ =	shalt  }
0x86: {  	_ =	shalt  }
0x87: {  	_ =	shalt  }
.Lfunc_end0:
.L_simem_size_0:
called_computation.1_lowered:
.L_overlay_start_0:
0x88: {  	s2 =	sld [smem:$0x3FD9]  }
0x89: {  	s3 =	sld [smem:$0x3FFE];
	_ =	sdelay $0x1  }
0x8a: {  	s1 =	srdreg.scid  }
0x8b: {  	s0 =	sand.u32 $0x1, s1  }
0x8c: {  	s17 =	sshll.u32 s0, $0xA;
	s2 =	sadd.s32 s3, s2  }
0x8d: {  	s2 =	sadd.s32 s2, s17  }
0x8e: {  	[smem:$0x3FC5] =	sst s2  }
0x8f: {  	_ = 	snop  }
0x90: {  	s2 =	sld [smem:$0x3FD0];
	(tm) =	ssettm $0x1  }
0x91: {  	s18 =	sld [smem:$0x3FFB];
	_ =	sdelay $0x3  }
0x92: {  	_ =	strace s18  }
0x93: {  	s3 =	sld [smem:$0x3FFC];
	_ =	sdelay $0x3  }
0x94: {  	_ =	strace s3  }
0x95: {  	s3 =	sld [smem:$0x3FFD];
	_ =	sdelay $0x3  }
0x96: {  	_ =	strace s3  }
0x97: {  	_ =	strace $0x8FFFFFFF  }
0x98: {  	s19 =	sld [smem:$0x3FDB];
	_ =	sdelay $0x1  }
0x99: {  	s4 =	simm.s32 $_scs_section_size  }
0x9a: {  	s5 =	simm.s32 $_size__tile_overlayer_lowered;
	s6 =	simm.s32 $_tile_overlayer_lowered  }
0x9b: {  	s22 =	simm.s32 $0x1BFF;
	s21 =	sshll.u32 s6, $0x1;
	s3 =	sadd.s32 s4, s19  }
0x9c: {  	s7 =	simm.s32 $0x0;
	s20 =	sshll.u32 s5, $0x1;
	s5 =	sadd.s32 s21, s3  }
0x9d: {  	[timem:s7], [sflag:s22] =	dma.local [hbm:s5], s20  }
0x9e: {  	_ =	swait.ge [sflag:s22], s20  }
0x9f: {  	s4 =	ssub.s32 $0x0, s20;
	[sflag:s22] =	ssyncset.done $0x0  }
0xa0: {  	[sflag:s22] =	ssyncadd.s32 s4;
	_ =	sdelay $0x1  }
0xa1: {  	s23 =	simm.s32 $0x1B8B  }
0xa2: {  	_ =	swait.ge [sflag:s23], $0x1  }
0xa3: {  	[sflag:s23] =	ssyncset.done $0x0  }
0xa4: {  	s25 =	simm.s32 $0x1B8E;
	s24 =	sld [smem:$0x3FFE];
	[sflag:s23] =	ssyncadd.s32 $0xFFFFFFFF  }
0xa5: {  	s26 =	simm.s32 $execute0_lowered;
	[smem:$0x3FD2] =	sst s25  }
0xa6: {  	s5 =	sshll.u32 s26, $0x1;
	_ =	strace $0x80000046;
	[dreg:$0x1] =	wrdreg $0xFFFFFFFF  }
0xa7: {  	s28 =	simm.s32 $_size_execute0_lowered;
	s3 =	sadd.s32 s3, s5;
	[dreg:$0x0] =	wrdreg $0x0  }
0xa8: {  	s5 =	sshll.u32 s28, $0x1;
	[dreg:$0x2] =	wrdreg s3  }
0xa9: {  	[dreg:$0x3] =	wrdreg s5  }
0xaa: {  	[dreg:$0x4] =	wrdreg $0xC0  }
0xab: {  	_ =	task [dreg:s7], $0x5FFFF  }
0xac: {  	[dreg:$0x1] =	wrdreg $0xFFFFFFFF  }
0xad: {  	[dreg:$0x0] =	wrdreg $0x60  }
0xae: {  	[dreg:$0x2] =	wrdreg s24  }
0xaf: {  	[dreg:$0x3] =	wrdreg s2  }
0xb0: {  	[dreg:$0x4] =	wrdreg $0x9  }
0xb1: {  	_ =	task.clear_ibuf [dreg:s7], $0x5FFFF;
	_ =	strace $0x90000046  }
0xb2: {  	s29 =	simm.s32 $0x9;
	_ =	strace $0x80000048  }
0xb3: {  	_ =	swait.ge [sflag:s29], $0x1  }
0xb4: {  	[sflag:s29] =	ssyncadd.s32 $0xFFFFFFFF  }
0xb5: {  	_ =	strace $0x90000048  }
0xb6: {  	_ =	sfence  }
0xb7: {  	s30 =	sld [smem:$0x0];
	_ =	sdelay $0x2  }
0xb8: {  	s31 =	sshll.u32 s1, $0xD;
	s1 =	sshrl.u32 s1, $0x2  }
0xb9: {  	s3 =	sand.u32 $0x4000, s31;
	s1 =	sadd.s32 s1, s30  }
0xba: {  	s0 =	sor.u32 s3, s0;
	s1 =	sshll.u32 s1, $0x11  }
0xbb: {  	s0 =	sor.u32 s1, s0  }
0xbc: {  	s0 =	sadd.s32 $0x8F2B, s0  }
0xbd: {  	[sflag:s0] =	ssyncadd.remote.s32 $0x1  }
0xbe: {  	_ =	sfence.sel $0xFFFF  }
0xbf: {  	[dreg:$0x0] =	wrdreg $0xFFFFFFFF;
	(pc) =	sbr.abs _section_cstart, $3  }
0xc0: {  	[dreg:$0x1] =	wrdreg $0xFFFFFFFF  }
0xc1: {  	_ =	task.clear_ibuf [dreg:s7], $0x2FFFF;
	_ =	strace $0x9FFFFFFF  }
0xc2: {  	(tm) =	ssettm $0x7FFFFFFF  }
0xc3: {  	_ =	shalt  }
tec
execute0_lowered:
.L_overlay_start_1:
0x0: {  	(tag) =	ssettag $0x1  }
0x1: {  	s1 =	srdreg.scid;
	s4 =	rddreg [dreg:$0x0]  }
0x2: {  	s0 =	stileid.u32;
	s8 =	rddreg [dreg:$0x1]  }
0x3: {  	s2 =	simm.s32 $0x0;
	s13 =	simm.s32 $0x34D0;
	s14 =	simm.s32 $0x44D0  }
0x4: {  	s15 =	simm.s32 $0x54D0;
	s16 =	simm.s32 $0x64D0;
	s17 =	simm.s32 $0x74D0  }
0x5: {  	s18 =	simm.s32 $0x84D0;
	s19 =	simm.s32 $0x94D0;
	s5 =	smul.u32 $0x6800, s0  }
0x6: {  	s20 =	simm.s32 $0xA4D0;
	s7 =	sand.u32 $0x1, s1;
	s30 =	smul.u32 $0x1A000, s0  }
0x7: {  	s21 =	simm.s32 $0x1;
	s23 =	sshll.u32 s0, $0x1;
	s6 =	smul.u32 $0x3400, s7  }
0x8: {  	s22 =	simm.s32 $0x0;
	s1 =	sor.u32 s7, s23;
	s12 =	smul.u32 $0xD000, s7  }
0x9: {  	[smem:$0x7FF] =	sst s2;
	s9 =	ssub.s32 $0x2, s7;
	s3 =	smul.u32 $0x3400, s1  }
0xa: {  	s1 =	rddreg [dreg:$0x2];
	_ =	strace $0x80000047;
	s10 =	sshrl.u32 s9, $0x1  }
0xb: {  	s5 =	sadd.s32 s6, s5;
	s9 =	ssub.s32 s9, s10;
	s10 =	simm.s32 $0x3400  }
0xc: {  	s3 =	sshrl.u32 s3, $0x3;
	s5 =	sshll.u32 s5, $0x2;
	s6 =	smax.u32 s9, $0x1  }
0xd: {  	s24 =	sadd.s32 s3, s4;
	s3 =	sadd.s32 $0xDC00, s4;
	s11 =	sadd.s32 s5, s8  }
0xe: {  	s4 =	sadd.s32 $0x27AD000, s4;
	s8 =	sadd.s32 s30, s8;
	s25 =	sadd.s32 $0xC00, s11  }
0xf: {  	s5 =	sadd.s32 $0xC00, s24;
	s26 =	sadd.s32 $0xA00, s11;
	[dreg:$0x3] =	wrdreg s25  }
0x10: {  	s28 =	sadd.s32 $0x800, s11;
	s29 =	sadd.s32 $0x600, s11;
	[dreg:$0x4] =	wrdreg s26  }
0x11: {  	s31 =	sadd.s32 $0x400, s11;
	s7 =	sadd.s32 $0x200, s11;
	[dreg:$0x5] =	wrdreg s28  }
0x12: {  	s8 =	sadd.s32 s12, s8;
	s9 =	sadd.s32 $0xE00, s11;
	[dreg:$0x6] =	wrdreg s29  }
0x13: {  	s11 =	simm.s32 $0x2;
	s12 =	simm.s32 $0x80;
	[dreg:$0x7] =	wrdreg s31  }
.LBB2_1:
0x14: {  	[tilespmem:s10], [sflag:$0x2] =	stream.linear.gather [hbm4b:s3+s2], $0xD0, $0x38;
	[tilespmem:$0xB4D0] =	vst v63  }
0x15: {  	_ =	swait.ge [sflag:s11], $0xD0  }
0x16: {  	[sflag:s11] =	ssyncset.done $0x0  }
0x17: {  	[sflag:s11] =	ssyncadd.s32 $0xFFFFFF30  }
0x18: {  	[tilespmem:s2], [sflag:$0x2] =	stream.linear.gather [hbm4b:s5+s2], $0x3400, $0x38;
	[tilespmem:$0xB4D0] =	vst v63  }
0x19: {  	_ =	swait.ge [sflag:s11], $0x3400  }
0x1a: {  	[sflag:s11] =	ssyncset.done $0x0  }
0x1b: {  	s23 =	simm.s32 $0x0;
	[sflag:s11] =	ssyncadd.s32 $0xFFFFCC00  }
0x1c: {  	s24 =	simm.s32 $0x340;
	v0 =	vld [tilespmem:s23+$0x0]  }
.LBB2_2:
0x1d: {  	p0 =	sne.s32 s24, $0xCCC0;
	v1 =	vld [tilespmem:$0x3400];
	_ =	sdelay $0x4  }
0x1e: {  	v0 =	vadd.s32 v0, v1  }
0x1f: {  	[tilespmem:s23+$0x0] =	vst v0;
	v0 =	vld [tilespmem:s23+$0x10]  }
0x20: {  	v1 =	vld [tilespmem:$0x3410];
	_ =	sdelay $0x4  }
0x21: {  	v0 =	vadd.s32 v0, v1  }
0x22: {  	[tilespmem:s23+$0x10] =	vst v0;
	v0 =	vld [tilespmem:s23+$0x20]  }
0x23: {  	v1 =	vld [tilespmem:$0x3420];
	_ =	sdelay $0x4  }
0x24: {  	v0 =	vadd.s32 v0, v1  }
0x25: {  	[tilespmem:s23+$0x20] =	vst v0;
	v0 =	vld [tilespmem:s23+$0x30]  }
0x26: {  	v1 =	vld [tilespmem:$0x3430];
	_ =	sdelay $0x4  }
0x27: {  	v0 =	vadd.s32 v0, v1  }
0x28: {  	[tilespmem:s23+$0x30] =	vst v0;
	v0 =	vld [tilespmem:s23+$0x40]  }
0x29: {  	v1 =	vld [tilespmem:$0x3440];
	_ =	sdelay $0x4  }
0x2a: {  	v0 =	vadd.s32 v0, v1  }
0x2b: {  	[tilespmem:s23+$0x40] =	vst v0;
	v0 =	vld [tilespmem:s23+$0x50]  }
0x2c: {  	v1 =	vld [tilespmem:$0x3450];
	_ =	sdelay $0x4  }
0x2d: {  	v0 =	vadd.s32 v0, v1  }
0x2e: {  	[tilespmem:s23+$0x50] =	vst v0;
	v0 =	vld [tilespmem:s23+$0x60]  }
0x2f: {  	v1 =	vld [tilespmem:$0x3460];
	_ =	sdelay $0x4  }
0x30: {  	v0 =	vadd.s32 v0, v1  }
0x31: {  	[tilespmem:s23+$0x60] =	vst v0;
	v0 =	vld [tilespmem:s23+$0x70]  }
0x32: {  	v1 =	vld [tilespmem:$0x3470];
	_ =	sdelay $0x4  }
0x33: {  	v0 =	vadd.s32 v0, v1  }
0x34: {  	[tilespmem:s23+$0x70] =	vst v0;
	v0 =	vld [tilespmem:s23+$0x80]  }
0x35: {  	v1 =	vld [tilespmem:$0x3480];
	_ =	sdelay $0x4  }
0x36: {  	v0 =	vadd.s32 v0, v1  }
0x37: {  	[tilespmem:s23+$0x80] =	vst v0;
	v0 =	vld [tilespmem:s23+$0x90]  }
0x38: {  	v1 =	vld [tilespmem:$0x3490];
	_ =	sdelay $0x4  }
0x39: {  	v0 =	vadd.s32 v0, v1  }
0x3a: {  	[tilespmem:s23+$0x90] =	vst v0;
	v0 =	vld [tilespmem:s23+$0xA0]  }
0x3b: {  	v1 =	vld [tilespmem:$0x34A0];
	_ =	sdelay $0x4  }
0x3c: {  	v0 =	vadd.s32 v0, v1  }
0x3d: {  	[tilespmem:s23+$0xA0] =	vst v0;
	v0 =	vld [tilespmem:s23+$0xB0]  }
0x3e: {  	v1 =	vld [tilespmem:$0x34B0];
	_ =	sdelay $0x4  }
0x3f: {  	v0 =	vadd.s32 v0, v1  }
0x40: {  	[tilespmem:s23+$0xB0] =	vst v0;
	v0 =	vld [tilespmem:s23+$0xC0]  }
0x41: {  	v1 =	vld [tilespmem:$0x34C0];
	_ =	sdelay $0x1  }
.Ltmp0:
0x42: {  	(pc) =	sbr.rel @p0 .LBB2_2-.Ltmp0, $3  }
0x43: {  	_ =	sdelay $0x1  }
0x44: {  	s25 =	sshra.s32 s24, $0x2;
	v1 =	vadd.s32 v0, v1  }
0x45: {  	s24 =	sadd.s32 $0x340, s24;
	v0 =	vld [tilespmem:s25+$0x0];
	[tilespmem:s23+$0xC0] =	vst v1;
	s23 =	smov.u32 s25  }
0x46: {  	v1 =	vld [tilespmem:$0x3400];
	_ =	sdelay $0x4  }
0x47: {  	v0 =	vadd.s32 v0, v1  }
0x48: {  	v40 =	vld [tilespmem:s23+$0x10];
	[tilespmem:s23+$0x0] =	vst v0  }
0x49: {  	v41 =	vld [tilespmem:$0x3410];
	_ =	sdelay $0x4  }
0x4a: {  	v0 =	vadd.s32 v40, v41  }
0x4b: {  	v42 =	vld [tilespmem:s23+$0x20];
	[tilespmem:s23+$0x10] =	vst v0  }
0x4c: {  	v43 =	vld [tilespmem:$0x3420];
	_ =	sdelay $0x4  }
0x4d: {  	v0 =	vadd.s32 v42, v43  }
0x4e: {  	v44 =	vld [tilespmem:s23+$0x30];
	[tilespmem:s23+$0x20] =	vst v0  }
0x4f: {  	v45 =	vld [tilespmem:$0x3430];
	_ =	sdelay $0x4  }
0x50: {  	v0 =	vadd.s32 v44, v45  }
0x51: {  	v46 =	vld [tilespmem:s23+$0x40];
	[tilespmem:s23+$0x30] =	vst v0  }
0x52: {  	v47 =	vld [tilespmem:$0x3440];
	_ =	sdelay $0x4  }
0x53: {  	v0 =	vadd.s32 v46, v47  }
0x54: {  	v48 =	vld [tilespmem:s23+$0x50];
	[tilespmem:s23+$0x40] =	vst v0  }
0x55: {  	v49 =	vld [tilespmem:$0x3450];
	_ =	sdelay $0x4  }
0x56: {  	v0 =	vadd.s32 v48, v49  }
0x57: {  	v50 =	vld [tilespmem:s23+$0x60];
	[tilespmem:s23+$0x50] =	vst v0  }
0x58: {  	v51 =	vld [tilespmem:$0x3460];
	_ =	sdelay $0x4  }
0x59: {  	v0 =	vadd.s32 v50, v51  }
0x5a: {  	v52 =	vld [tilespmem:s23+$0x70];
	[tilespmem:s23+$0x60] =	vst v0  }
0x5b: {  	v53 =	vld [tilespmem:$0x3470];
	_ =	sdelay $0x4  }
0x5c: {  	v0 =	vadd.s32 v52, v53  }
0x5d: {  	v54 =	vld [tilespmem:s23+$0x80];
	[tilespmem:s23+$0x70] =	vst v0  }
0x5e: {  	v55 =	vld [tilespmem:$0x3480];
	_ =	sdelay $0x4  }
0x5f: {  	v0 =	vadd.s32 v54, v55  }
0x60: {  	v56 =	vld [tilespmem:s23+$0x90];
	[tilespmem:s23+$0x80] =	vst v0  }
0x61: {  	v57 =	vld [tilespmem:$0x3490];
	_ =	sdelay $0x4  }
0x62: {  	v0 =	vadd.s32 v56, v57  }
0x63: {  	v58 =	vld [tilespmem:s23+$0xA0];
	[tilespmem:s23+$0x90] =	vst v0  }
0x64: {  	v59 =	vld [tilespmem:$0x34A0];
	_ =	sdelay $0x4  }
0x65: {  	v0 =	vadd.s32 v58, v59  }
0x66: {  	v60 =	vld [tilespmem:s23+$0xB0];
	[tilespmem:s23+$0xA0] =	vst v0  }
0x67: {  	v61 =	vld [tilespmem:$0x34B0];
	_ =	sdelay $0x4  }
0x68: {  	v0 =	vadd.s32 v60, v61  }
0x69: {  	v62 =	vld [tilespmem:s23+$0xC0];
	[tilespmem:s23+$0xB0] =	vst v0  }
0x6a: {  	v63 =	vld [tilespmem:$0x34C0];
	_ =	sdelay $0x4  }
0x6b: {  	v0 =	vadd.s32 v62, v63  }
0x6c: {  	s30 =	simm.s32 $0x0;
	[tilespmem:s23+$0xC0] =	vst v0  }
0x6d: {  	[tilespmem:s13], [sflag:$0x1] =	stream.indirect.gather [hbm4b:s4+s12], $0x20, s30, s12, $0xb8;
	[tilespmem:$0xB4D0] =	vst v63  }
0x6e: {  	s31 =	simm.s32 $0x80  }
0x6f: {  	[tilespmem:s14], [sflag:$0x1] =	stream.indirect.gather [hbm4b:s4+s12], $0x20, s31, s12, $0xb8;
	[tilespmem:$0xB4D0] =	vst v63  }
0x70: {  	s24 =	simm.s32 $0x100  }
0x71: {  	[tilespmem:s15], [sflag:$0x1] =	stream.indirect.gather [hbm4b:s4+s12], $0x20, s24, s12, $0xb8;
	[tilespmem:$0xB4D0] =	vst v63  }
0x72: {  	s25 =	simm.s32 $0x180  }
0x73: {  	[tilespmem:s16], [sflag:$0x1] =	stream.indirect.gather [hbm4b:s4+s12], $0x20, s25, s12, $0xb8;
	[tilespmem:$0xB4D0] =	vst v63  }
0x74: {  	s26 =	simm.s32 $0x200  }
0x75: {  	[tilespmem:s17], [sflag:$0x1] =	stream.indirect.gather [hbm4b:s4+s12], $0x20, s26, s12, $0xb8;
	[tilespmem:$0xB4D0] =	vst v63  }
0x76: {  	s28 =	simm.s32 $0x280  }
0x77: {  	[tilespmem:s18], [sflag:$0x1] =	stream.indirect.gather [hbm4b:s4+s12], $0x20, s28, s12, $0xb8;
	[tilespmem:$0xB4D0] =	vst v63  }
0x78: {  	s29 =	simm.s32 $0x300  }
0x79: {  	[tilespmem:s19], [sflag:$0x1] =	stream.indirect.gather [hbm4b:s4+s12], $0x20, s29, s12, $0xb8;
	[tilespmem:$0xB4D0] =	vst v63  }
0x7a: {  	s30 =	simm.s32 $0x380  }
0x7b: {  	[tilespmem:s20], [sflag:$0x1] =	stream.indirect.gather [hbm4b:s4+s12], $0x20, s30, s12, $0xb8;
	[tilespmem:$0xB4D0] =	vst v63  }
0x7c: {  	_ =	swait.ge [sflag:s21], $0x1000  }
0x7d: {  	[sflag:s21] =	ssyncset.done $0x0  }
0x7e: {  	[sflag:s21] =	ssyncadd.s32 $0xFFFFF000  }
0x7f: {  	_ =	swait.ge [sflag:s21], $0x1000  }
0x80: {  	[sflag:s21] =	ssyncset.done $0x0  }
0x81: {  	[sflag:s21] =	ssyncadd.s32 $0xFFFFF000  }
0x82: {  	_ =	swait.ge [sflag:s21], $0x1000  }
0x83: {  	[sflag:s21] =	ssyncset.done $0x0  }
0x84: {  	[sflag:s21] =	ssyncadd.s32 $0xFFFFF000  }
0x85: {  	_ =	swait.ge [sflag:s21], $0x1000  }
0x86: {  	[sflag:s21] =	ssyncset.done $0x0  }
0x87: {  	[sflag:s21] =	ssyncadd.s32 $0xFFFFF000  }
0x88: {  	_ =	swait.ge [sflag:s21], $0x1000  }
0x89: {  	[sflag:s21] =	ssyncset.done $0x0  }
0x8a: {  	[sflag:s21] =	ssyncadd.s32 $0xFFFFF000  }
0x8b: {  	_ =	swait.ge [sflag:s21], $0x1000  }
0x8c: {  	[sflag:s21] =	ssyncset.done $0x0  }
0x8d: {  	[sflag:s21] =	ssyncadd.s32 $0xFFFFF000  }
0x8e: {  	_ =	swait.ge [sflag:s21], $0x1000  }
0x8f: {  	[sflag:s21] =	ssyncset.done $0x0  }
0x90: {  	[sflag:s21] =	ssyncadd.s32 $0xFFFFF000  }
0x91: {  	_ =	swait.ge [sflag:s21], $0x1000  }
0x92: {  	[sflag:s21] =	ssyncset.done $0x0  }
0x93: {  	s31 =	sadd.s32 $0x0, s8;
	[sflag:s21] =	ssyncadd.s32 $0xFFFFF000  }
0x94: {  	[hbm4b:s31+s2] =	stream.linear.scatter [tilespmem:s13], [sflag:$0x2], $0x1000, $0x38;
	[tilespmem:$0xB4D0] =	vst v63  }
0x95: {  	_ =	swait.ge [sflag:s11], $0x1000  }
0x96: {  	[sflag:s11] =	ssyncset.done $0x0  }
0x97: {  	s24 =	sadd.s32 $0x0, s7;
	[sflag:s11] =	ssyncadd.s32 $0xFFFFF000  }
0x98: {  	[hbm4b:s24+s2] =	stream.linear.scatter [tilespmem:s14], [sflag:$0x2], $0x1000, $0x38;
	[tilespmem:$0xB4D0] =	vst v63  }
0x99: {  	_ =	swait.ge [sflag:s11], $0x1000  }
0x9a: {  	s25 =	rddreg [dreg:$0x7];
	[sflag:s11] =	ssyncset.done $0x0  }
0x9b: {  	[sflag:s11] =	ssyncadd.s32 $0xFFFFF000;
	s23 =	sadd.s32 $0x0, s25  }
0x9c: {  	[hbm4b:s23+s2] =	stream.linear.scatter [tilespmem:s15], [sflag:$0x2], $0x1000, $0x38;
	[tilespmem:$0xB4D0] =	vst v63  }
0x9d: {  	_ =	swait.ge [sflag:s11], $0x1000  }
0x9e: {  	s26 =	rddreg [dreg:$0x6];
	[sflag:s11] =	ssyncset.done $0x0  }
0x9f: {  	[sflag:s11] =	ssyncadd.s32 $0xFFFFF000;
	s23 =	sadd.s32 $0x0, s26  }
0xa0: {  	[hbm4b:s23+s2] =	stream.linear.scatter [tilespmem:s16], [sflag:$0x2], $0x1000, $0x38;
	[tilespmem:$0xB4D0] =	vst v63  }
0xa1: {  	_ =	swait.ge [sflag:s11], $0x1000  }
0xa2: {  	s28 =	rddreg [dreg:$0x5];
	[sflag:s11] =	ssyncset.done $0x0  }
0xa3: {  	[sflag:s11] =	ssyncadd.s32 $0xFFFFF000;
	s23 =	sadd.s32 $0x0, s28  }
0xa4: {  	[hbm4b:s23+s2] =	stream.linear.scatter [tilespmem:s17], [sflag:$0x2], $0x1000, $0x38;
	[tilespmem:$0xB4D0] =	vst v63  }
0xa5: {  	_ =	swait.ge [sflag:s11], $0x1000  }
0xa6: {  	s29 =	rddreg [dreg:$0x4];
	[sflag:s11] =	ssyncset.done $0x0  }
0xa7: {  	[sflag:s11] =	ssyncadd.s32 $0xFFFFF000;
	s23 =	sadd.s32 $0x0, s29  }
0xa8: {  	[hbm4b:s23+s2] =	stream.linear.scatter [tilespmem:s18], [sflag:$0x2], $0x1000, $0x38;
	[tilespmem:$0xB4D0] =	vst v63  }
0xa9: {  	_ =	swait.ge [sflag:s11], $0x1000  }
0xaa: {  	s30 =	rddreg [dreg:$0x3];
	[sflag:s11] =	ssyncset.done $0x0  }
0xab: {  	[sflag:s11] =	ssyncadd.s32 $0xFFFFF000;
	s23 =	sadd.s32 $0x0, s30  }
0xac: {  	[hbm4b:s23+s2] =	stream.linear.scatter [tilespmem:s19], [sflag:$0x2], $0x1000, $0x38;
	[tilespmem:$0xB4D0] =	vst v63  }
0xad: {  	_ =	swait.ge [sflag:s11], $0x1000  }
0xae: {  	[sflag:s11] =	ssyncset.done $0x0  }
0xaf: {  	s31 =	sadd.s32 $0x0, s9;
	[sflag:s11] =	ssyncadd.s32 $0xFFFFF000  }
0xb0: {  	[hbm4b:s31+s2] =	stream.linear.scatter [tilespmem:s20], [sflag:$0x2], $0x1000, $0x38;
	[tilespmem:$0xB4D0] =	vst v63  }
0xb1: {  	_ =	swait.ge [sflag:s11], $0x1000  }
0xb2: {  	s26 =	simm.s32 $0x2000;
	s23 =	simm.s32 $0x1000;
	[sflag:s11] =	ssyncset.done $0x0  }
.LBB2_4:
0xb3: {  	s28 =	sshra.s32 s23, $0x2;
	[sflag:s11] =	ssyncadd.s32 $0xFFFFF000  }
0xb4: {  	[tilespmem:s13], [sflag:$0x1] =	stream.indirect.gather [hbm4b:s4+s12], $0x20, s28, s12, $0xb8;
	[tilespmem:$0xB4D0] =	vst v63  }
0xb5: {  	s31 =	sadd.s32 $0x80, s28  }
0xb6: {  	[tilespmem:s14], [sflag:$0x1] =	stream.indirect.gather [hbm4b:s4+s12], $0x20, s31, s12, $0xb8;
	[tilespmem:$0xB4D0] =	vst v63  }
0xb7: {  	s29 =	sadd.s32 $0x100, s28  }
0xb8: {  	[tilespmem:s15], [sflag:$0x1] =	stream.indirect.gather [hbm4b:s4+s12], $0x20, s29, s12, $0xb8;
	[tilespmem:$0xB4D0] =	vst v63  }
0xb9: {  	s30 =	sadd.s32 $0x180, s28  }
0xba: {  	[tilespmem:s16], [sflag:$0x1] =	stream.indirect.gather [hbm4b:s4+s12], $0x20, s30, s12, $0xb8;
	[tilespmem:$0xB4D0] =	vst v63  }
0xbb: {  	s31 =	sadd.s32 $0x200, s28  }
0xbc: {  	[tilespmem:s17], [sflag:$0x1] =	stream.indirect.gather [hbm4b:s4+s12], $0x20, s31, s12, $0xb8;
	[tilespmem:$0xB4D0] =	vst v63  }
0xbd: {  	s29 =	sadd.s32 $0x280, s28  }
0xbe: {  	[tilespmem:s18], [sflag:$0x1] =	stream.indirect.gather [hbm4b:s4+s12], $0x20, s29, s12, $0xb8;
	[tilespmem:$0xB4D0] =	vst v63  }
0xbf: {  	s30 =	sadd.s32 $0x300, s28  }
0xc0: {  	[tilespmem:s19], [sflag:$0x1] =	stream.indirect.gather [hbm4b:s4+s12], $0x20, s30, s12, $0xb8;
	[tilespmem:$0xB4D0] =	vst v63  }
0xc1: {  	s31 =	sadd.s32 $0x380, s28  }
0xc2: {  	[tilespmem:s20], [sflag:$0x1] =	stream.indirect.gather [hbm4b:s4+s12], $0x20, s31, s12, $0xb8;
	[tilespmem:$0xB4D0] =	vst v63  }
0xc3: {  	_ =	swait.ge [sflag:s21], $0x1000  }
0xc4: {  	[sflag:s21] =	ssyncset.done $0x0  }
0xc5: {  	[sflag:s21] =	ssyncadd.s32 $0xFFFFF000  }
0xc6: {  	_ =	swait.ge [sflag:s21], $0x1000  }
0xc7: {  	[sflag:s21] =	ssyncset.done $0x0  }
0xc8: {  	[sflag:s21] =	ssyncadd.s32 $0xFFFFF000  }
0xc9: {  	_ =	swait.ge [sflag:s21], $0x1000  }
0xca: {  	[sflag:s21] =	ssyncset.done $0x0  }
0xcb: {  	[sflag:s21] =	ssyncadd.s32 $0xFFFFF000  }
0xcc: {  	_ =	swait.ge [sflag:s21], $0x1000  }
0xcd: {  	[sflag:s21] =	ssyncset.done $0x0  }
0xce: {  	[sflag:s21] =	ssyncadd.s32 $0xFFFFF000  }
0xcf: {  	_ =	swait.ge [sflag:s21], $0x1000  }
0xd0: {  	[sflag:s21] =	ssyncset.done $0x0  }
0xd1: {  	[sflag:s21] =	ssyncadd.s32 $0xFFFFF000  }
0xd2: {  	_ =	swait.ge [sflag:s21], $0x1000  }
0xd3: {  	[sflag:s21] =	ssyncset.done $0x0  }
0xd4: {  	[sflag:s21] =	ssyncadd.s32 $0xFFFFF000  }
0xd5: {  	_ =	swait.ge [sflag:s21], $0x1000  }
0xd6: {  	[sflag:s21] =	ssyncset.done $0x0  }
0xd7: {  	[sflag:s21] =	ssyncadd.s32 $0xFFFFF000  }
0xd8: {  	_ =	swait.ge [sflag:s21], $0x1000  }
0xd9: {  	[sflag:s21] =	ssyncset.done $0x0  }
0xda: {  	s28 =	sadd.s32 s23, s8;
	[sflag:s21] =	ssyncadd.s32 $0xFFFFF000  }
0xdb: {  	[hbm4b:s28+s2] =	stream.linear.scatter [tilespmem:s13], [sflag:$0x2], $0x1000, $0x38;
	[tilespmem:$0xB4D0] =	vst v63  }
0xdc: {  	_ =	swait.ge [sflag:s11], $0x1000  }
0xdd: {  	[sflag:s11] =	ssyncset.done $0x0  }
0xde: {  	s29 =	sadd.s32 s23, s7;
	[sflag:s11] =	ssyncadd.s32 $0xFFFFF000  }
0xdf: {  	[hbm4b:s29+s2] =	stream.linear.scatter [tilespmem:s14], [sflag:$0x2], $0x1000, $0x38;
	[tilespmem:$0xB4D0] =	vst v63  }
0xe0: {  	s25 =	smov.u32 s26;
	_ =	swait.ge [sflag:s11], $0x1000  }
0xe1: {  	s24 =	sadd.s32 $0x1000, s26;
	s30 =	rddreg [dreg:$0x7];
	[sflag:s11] =	ssyncset.done $0x0  }
0xe2: {  	p0 =	sne.s32 s26, $0xC000;
	[sflag:s11] =	ssyncadd.s32 $0xFFFFF000;
	s26 =	sadd.s32 s23, s30  }
0xe3: {  	[hbm4b:s26+s2] =	stream.linear.scatter [tilespmem:s15], [sflag:$0x2], $0x1000, $0x38;
	[tilespmem:$0xB4D0] =	vst v63  }
0xe4: {  	_ =	swait.ge [sflag:s11], $0x1000  }
0xe5: {  	s31 =	rddreg [dreg:$0x6];
	[sflag:s11] =	ssyncset.done $0x0  }
0xe6: {  	[sflag:s11] =	ssyncadd.s32 $0xFFFFF000;
	s26 =	sadd.s32 s23, s31  }
0xe7: {  	[hbm4b:s26+s2] =	stream.linear.scatter [tilespmem:s16], [sflag:$0x2], $0x1000, $0x38;
	[tilespmem:$0xB4D0] =	vst v63  }
0xe8: {  	_ =	swait.ge [sflag:s11], $0x1000  }
0xe9: {  	s28 =	rddreg [dreg:$0x5];
	[sflag:s11] =	ssyncset.done $0x0  }
0xea: {  	[sflag:s11] =	ssyncadd.s32 $0xFFFFF000;
	s26 =	sadd.s32 s23, s28  }
0xeb: {  	[hbm4b:s26+s2] =	stream.linear.scatter [tilespmem:s17], [sflag:$0x2], $0x1000, $0x38;
	[tilespmem:$0xB4D0] =	vst v63  }
0xec: {  	_ =	swait.ge [sflag:s11], $0x1000  }
0xed: {  	s29 =	rddreg [dreg:$0x4];
	[sflag:s11] =	ssyncset.done $0x0  }
0xee: {  	[sflag:s11] =	ssyncadd.s32 $0xFFFFF000;
	s26 =	sadd.s32 s23, s29  }
0xef: {  	[hbm4b:s26+s2] =	stream.linear.scatter [tilespmem:s18], [sflag:$0x2], $0x1000, $0x38;
	[tilespmem:$0xB4D0] =	vst v63  }
0xf0: {  	_ =	swait.ge [sflag:s11], $0x1000  }
0xf1: {  	s30 =	rddreg [dreg:$0x3];
	[sflag:s11] =	ssyncset.done $0x0  }
0xf2: {  	[sflag:s11] =	ssyncadd.s32 $0xFFFFF000;
	s26 =	sadd.s32 s23, s30  }
0xf3: {  	[hbm4b:s26+s2] =	stream.linear.scatter [tilespmem:s19], [sflag:$0x2], $0x1000, $0x38;
	[tilespmem:$0xB4D0] =	vst v63  }
0xf4: {  	_ =	swait.ge [sflag:s11], $0x1000  }
.Ltmp1:
0xf5: {  	[sflag:s11] =	ssyncset.done $0x0;
	(pc) =	sbr.rel @p0 .LBB2_4-.Ltmp1, $4  }
0xf6: {  	s31 =	sadd.s32 s23, s9;
	[sflag:s11] =	ssyncadd.s32 $0xFFFFF000  }
0xf7: {  	[hbm4b:s31+s2] =	stream.linear.scatter [tilespmem:s20], [sflag:$0x2], $0x1000, $0x38;
	[tilespmem:$0xB4D0] =	vst v63  }
0xf8: {  	_ =	swait.ge [sflag:s11], $0x1000  }
0xf9: {  	s23 =	smov.u32 s25;
	s26 =	smov.u32 s24;
	[sflag:s11] =	ssyncset.done $0x0  }
0xfa: {  	s24 =	sshra.s32 s23, $0x2;
	[sflag:s11] =	ssyncadd.s32 $0xFFFFF000  }
0xfb: {  	[tilespmem:s13], [sflag:$0x1] =	stream.indirect.gather [hbm4b:s4+s12], $0x20, s24, s12, $0xb8;
	[tilespmem:$0xB4D0] =	vst v63  }
0xfc: {  	s25 =	sadd.s32 $0x80, s24  }
0xfd: {  	[tilespmem:s14], [sflag:$0x1] =	stream.indirect.gather [hbm4b:s4+s12], $0x20, s25, s12, $0xb8;
	[tilespmem:$0xB4D0] =	vst v63  }
0xfe: {  	s30 =	sadd.s32 $0x100, s24  }
0xff: {  	[tilespmem:s15], [sflag:$0x1] =	stream.indirect.gather [hbm4b:s4+s12], $0x20, s30, s12, $0xb8;
	[tilespmem:$0xB4D0] =	vst v63  }
0x100: {  	s31 =	sadd.s32 $0x180, s24  }
0x101: {  	[tilespmem:s16], [sflag:$0x1] =	stream.indirect.gather [hbm4b:s4+s12], $0x20, s31, s12, $0xb8;
	[tilespmem:$0xB4D0] =	vst v63  }
0x102: {  	s26 =	sadd.s32 $0x200, s24  }
0x103: {  	[tilespmem:s17], [sflag:$0x1] =	stream.indirect.gather [hbm4b:s4+s12], $0x20, s26, s12, $0xb8;
	[tilespmem:$0xB4D0] =	vst v63  }
0x104: {  	s28 =	sadd.s32 $0x280, s24  }
0x105: {  	[tilespmem:s18], [sflag:$0x1] =	stream.indirect.gather [hbm4b:s4+s12], $0x20, s28, s12, $0xb8;
	[tilespmem:$0xB4D0] =	vst v63  }
0x106: {  	s29 =	sadd.s32 $0x300, s24  }
0x107: {  	[tilespmem:s19], [sflag:$0x1] =	stream.indirect.gather [hbm4b:s4+s12], $0x20, s29, s12, $0xb8;
	[tilespmem:$0xB4D0] =	vst v63  }
0x108: {  	s24 =	sadd.s32 $0x380, s24  }
0x109: {  	[tilespmem:s20], [sflag:$0x1] =	stream.indirect.gather [hbm4b:s4+s12], $0x20, s24, s12, $0xb8;
	[tilespmem:$0xB4D0] =	vst v63  }
0x10a: {  	_ =	swait.ge [sflag:s21], $0x1000  }
0x10b: {  	[sflag:s21] =	ssyncset.done $0x0  }
0x10c: {  	[sflag:s21] =	ssyncadd.s32 $0xFFFFF000  }
0x10d: {  	_ =	swait.ge [sflag:s21], $0x1000  }
0x10e: {  	[sflag:s21] =	ssyncset.done $0x0  }
0x10f: {  	[sflag:s21] =	ssyncadd.s32 $0xFFFFF000  }
0x110: {  	_ =	swait.ge [sflag:s21], $0x1000  }
0x111: {  	[sflag:s21] =	ssyncset.done $0x0  }
0x112: {  	[sflag:s21] =	ssyncadd.s32 $0xFFFFF000  }
0x113: {  	_ =	swait.ge [sflag:s21], $0x1000  }
0x114: {  	[sflag:s21] =	ssyncset.done $0x0  }
0x115: {  	[sflag:s21] =	ssyncadd.s32 $0xFFFFF000  }
0x116: {  	_ =	swait.ge [sflag:s21], $0x1000  }
0x117: {  	[sflag:s21] =	ssyncset.done $0x0  }
0x118: {  	[sflag:s21] =	ssyncadd.s32 $0xFFFFF000  }
0x119: {  	_ =	swait.ge [sflag:s21], $0x1000  }
0x11a: {  	[sflag:s21] =	ssyncset.done $0x0  }
0x11b: {  	[sflag:s21] =	ssyncadd.s32 $0xFFFFF000  }
0x11c: {  	_ =	swait.ge [sflag:s21], $0x1000  }
0x11d: {  	[sflag:s21] =	ssyncset.done $0x0  }
0x11e: {  	[sflag:s21] =	ssyncadd.s32 $0xFFFFF000  }
0x11f: {  	_ =	swait.ge [sflag:s21], $0x1000  }
0x120: {  	[sflag:s21] =	ssyncset.done $0x0  }
0x121: {  	s30 =	sadd.s32 s23, s8;
	[sflag:s21] =	ssyncadd.s32 $0xFFFFF000  }
0x122: {  	[hbm4b:s30+s2] =	stream.linear.scatter [tilespmem:s13], [sflag:$0x2], $0x1000, $0x38;
	[tilespmem:$0xB4D0] =	vst v63  }
0x123: {  	_ =	swait.ge [sflag:s11], $0x1000  }
0x124: {  	[sflag:s11] =	ssyncset.done $0x0  }
0x125: {  	s31 =	sadd.s32 s23, s7;
	[sflag:s11] =	ssyncadd.s32 $0xFFFFF000  }
0x126: {  	[hbm4b:s31+s2] =	stream.linear.scatter [tilespmem:s14], [sflag:$0x2], $0x1000, $0x38;
	[tilespmem:$0xB4D0] =	vst v63  }
0x127: {  	_ =	swait.ge [sflag:s11], $0x1000  }
0x128: {  	s25 =	rddreg [dreg:$0x7];
	[sflag:s11] =	ssyncset.done $0x0  }
0x129: {  	[sflag:s11] =	ssyncadd.s32 $0xFFFFF000;
	s24 =	sadd.s32 s23, s25  }
0x12a: {  	[hbm4b:s24+s2] =	stream.linear.scatter [tilespmem:s15], [sflag:$0x2], $0x1000, $0x38;
	[tilespmem:$0xB4D0] =	vst v63  }
0x12b: {  	_ =	swait.ge [sflag:s11], $0x1000  }
0x12c: {  	s26 =	rddreg [dreg:$0x6];
	[sflag:s11] =	ssyncset.done $0x0  }
0x12d: {  	[sflag:s11] =	ssyncadd.s32 $0xFFFFF000;
	s24 =	sadd.s32 s23, s26  }
0x12e: {  	[hbm4b:s24+s2] =	stream.linear.scatter [tilespmem:s16], [sflag:$0x2], $0x1000, $0x38;
	[tilespmem:$0xB4D0] =	vst v63  }
0x12f: {  	_ =	swait.ge [sflag:s11], $0x1000  }
0x130: {  	s28 =	rddreg [dreg:$0x5];
	[sflag:s11] =	ssyncset.done $0x0  }
0x131: {  	[sflag:s11] =	ssyncadd.s32 $0xFFFFF000;
	s24 =	sadd.s32 s23, s28  }
0x132: {  	[hbm4b:s24+s2] =	stream.linear.scatter [tilespmem:s17], [sflag:$0x2], $0x1000, $0x38;
	[tilespmem:$0xB4D0] =	vst v63  }
0x133: {  	_ =	swait.ge [sflag:s11], $0x1000  }
0x134: {  	s29 =	rddreg [dreg:$0x4];
	[sflag:s11] =	ssyncset.done $0x0  }
0x135: {  	[sflag:s11] =	ssyncadd.s32 $0xFFFFF000;
	s24 =	sadd.s32 s23, s29  }
0x136: {  	[hbm4b:s24+s2] =	stream.linear.scatter [tilespmem:s18], [sflag:$0x2], $0x1000, $0x38;
	[tilespmem:$0xB4D0] =	vst v63  }
0x137: {  	_ =	swait.ge [sflag:s11], $0x1000  }
0x138: {  	s30 =	rddreg [dreg:$0x3];
	[sflag:s11] =	ssyncset.done $0x0  }
0x139: {  	[sflag:s11] =	ssyncadd.s32 $0xFFFFF000;
	s24 =	sadd.s32 s23, s30  }
0x13a: {  	[hbm4b:s24+s2] =	stream.linear.scatter [tilespmem:s19], [sflag:$0x2], $0x1000, $0x38;
	[tilespmem:$0xB4D0] =	vst v63  }
0x13b: {  	s22 =	sadd.s32 $0x1, s22;
	_ =	swait.ge [sflag:s11], $0x1000  }
0x13c: {  	p0 =	sne.s32 s22, s6;
	[sflag:s11] =	ssyncset.done $0x0  }
.Ltmp2:
0x13d: {  	s31 =	sadd.s32 s23, s9;
	[sflag:s11] =	ssyncadd.s32 $0xFFFFF000;
	(pc) =	sbr.rel @p0 .LBB2_1-.Ltmp2, $4  }
0x13e: {  	[hbm4b:s31+s2] =	stream.linear.scatter [tilespmem:s20], [sflag:$0x2], $0x1000, $0x38;
	[tilespmem:$0xB4D0] =	vst v63  }
0x13f: {  	_ =	swait.ge [sflag:s11], $0x1000  }
0x140: {  	[sflag:s11] =	ssyncset.done $0x0  }
0x141: {  	[sflag:s11] =	ssyncadd.s32 $0xFFFFF000  }
0x142: {  	_ =	sfence.sel $0x180000  }
0x143: {  	[bflag:$0x0] =	sbarrier.arrive $0xFFFF  }
0x144: {  	p0 =	sne.s32 s0, $0x0;
	_ =	strace $0x90000047  }
0x145: {  	s0 =	sadd.s32 @!p0 $0x100000, s1;
	[bflag:$0x2] =	sbarrier.arrive $0xFFFF  }
0x146: {  	[sflag:s0] =	ssyncadd.tile.s32 @!p0 $0x1;
	_ =	shalt  }
.Lfunc_end2:
_tile_overlayer_lowered:
.L_overlay_start_2:
0x147: {  	(tag) =	ssettag $0x2  }
0x148: {  	s0 =	rddreg [dreg:$0x0];
	s2 =	stileid.u32  }
0x149: {  	s1 =	rddreg [dreg:$0x1];
	p0 =	sne.s32 s2, $0x0  }
0x14a: {  	s3 =	rddreg [dreg:$0x2];
	[bflag:$0x3] =	sbarrier.arrive $0xFFFF;
	s2 =	simm.s32 @!p0 $0x1C02  }
0x14b: {  	[timem:s3], [sflag:s2] =	dma.local @!p0 [hbm:s0], s1  }
0x14c: {  	s0 =	simm.s32 @!p0 $0x2  }
0x14d: {  	_ =	swait.ge @!p0 [sflag:s0], s1  }
0x14e: {  	s1 =	ssub.s32 @!p0 $0x0, s1;
	[sflag:s0] =	ssyncset.done @!p0 $0x0  }
0x14f: {  	[sflag:s0] =	ssyncadd.s32 @!p0 s1  }
0x150: {  	[bflag:$0x3] =	sbarrier.arrive $0xFFFF  }
0x151: {  	_ =	shalt  }

// kernel: sparse-core-data-format-call.cloned.1.call-start
scs
called_computation_lowered:
.L_overlay_start_0:
0x0: {  	s2 =	sld [smem:$0x3FD9]  }
0x1: {  	s3 =	sld [smem:$0x3FFE];
	_ =	sdelay $0x1  }
0x2: {  	s1 =	srdreg.scid  }
0x3: {  	s0 =	sand.u32 $0x1, s1  }
0x4: {  	s18 =	sshll.u32 s0, $0xA;
	s2 =	sadd.s32 s3, s2  }
0x5: {  	s2 =	sadd.s32 s2, s18  }
0x6: {  	[smem:$0x3FC5] =	sst s2  }
0x7: {  	_ = 	snop  }
0x8: {  	s2 =	sld [smem:$0x3FD0];
	(tm) =	ssettm $0x1  }
0x9: {  	s19 =	sld [smem:$0x3FFB];
	_ =	sdelay $0x3  }
0xa: {  	_ =	strace s19  }
0xb: {  	s3 =	sld [smem:$0x3FFC];
	_ =	sdelay $0x3  }
0xc: {  	_ =	strace s3  }
0xd: {  	s3 =	sld [smem:$0x3FFD];
	_ =	sdelay $0x3  }
0xe: {  	_ =	strace s3  }
0xf: {  	_ =	strace $0x8FFFFFFF  }
0x10: {  	s20 =	sld [smem:$0x3FDB];
	_ =	sdelay $0x1  }
0x11: {  	s4 =	simm.s32 $_scs_section_size  }
0x12: {  	s5 =	simm.s32 $_size__tile_overlayer_lowered;
	s6 =	simm.s32 $_tile_overlayer_lowered  }
0x13: {  	s23 =	simm.s32 $0x1BFF;
	s22 =	sshll.u32 s6, $0x1;
	s3 =	sadd.s32 s4, s20  }
0x14: {  	s7 =	simm.s32 $0x0;
	s21 =	sshll.u32 s5, $0x1;
	s5 =	sadd.s32 s22, s3  }
0x15: {  	[timem:s7], [sflag:s23] =	dma.local [hbm:s5], s21  }
0x16: {  	_ =	swait.ge [sflag:s23], s21  }
0x17: {  	s4 =	ssub.s32 $0x0, s21;
	[sflag:s23] =	ssyncset.done $0x0  }
0x18: {  	[sflag:s23] =	ssyncadd.s32 s4;
	_ =	sdelay $0x1  }
0x19: {  	s24 =	simm.s32 $0x1B8B  }
0x1a: {  	_ =	swait.ge [sflag:s24], $0x1  }
0x1b: {  	[sflag:s24] =	ssyncset.done $0x0  }
0x1c: {  	s26 =	simm.s32 $0x1B8E;
	s25 =	sld [smem:$0x3FFE];
	[sflag:s24] =	ssyncadd.s32 $0xFFFFFFFF  }
0x1d: {  	s27 =	simm.s32 $execute0_lowered;
	[smem:$0x3FD2] =	sst s26  }
0x1e: {  	s5 =	sshll.u32 s27, $0x1;
	_ =	strace $0x80000049;
	[dreg:$0x1] =	wrdreg $0xFFFFFFFF  }
0x1f: {  	s28 =	simm.s32 $_size_execute0_lowered;
	s3 =	sadd.s32 s3, s5;
	[dreg:$0x0] =	wrdreg $0x0  }
0x20: {  	s5 =	sshll.u32 s28, $0x1;
	[dreg:$0x2] =	wrdreg s3  }
0x21: {  	[dreg:$0x3] =	wrdreg s5  }
0x22: {  	[dreg:$0x4] =	wrdreg $0xC0  }
0x23: {  	_ =	task [dreg:s7], $0x5FFFF  }
0x24: {  	[dreg:$0x1] =	wrdreg $0xFFFFFFFF  }
0x25: {  	[dreg:$0x0] =	wrdreg $0x60  }
0x26: {  	[dreg:$0x2] =	wrdreg s25  }
0x27: {  	[dreg:$0x3] =	wrdreg s2  }
0x28: {  	[dreg:$0x4] =	wrdreg $0x9  }
0x29: {  	_ =	task.clear_ibuf [dreg:s7], $0x5FFFF;
	_ =	strace $0x90000049  }
0x2a: {  	s29 =	simm.s32 $0x9;
	_ =	strace $0x8000004B  }
0x2b: {  	_ =	swait.ge [sflag:s29], $0x1  }
0x2c: {  	[sflag:s29] =	ssyncadd.s32 $0xFFFFFFFF  }
0x2d: {  	_ =	strace $0x9000004B  }
0x2e: {  	_ =	sfence  }
0x2f: {  	s30 =	sld [smem:$0x0];
	_ =	sdelay $0x2  }
0x30: {  	s31 =	sshll.u32 s1, $0xD;
	s1 =	sshrl.u32 s1, $0x2  }
0x31: {  	s3 =	sand.u32 $0x4000, s31;
	s1 =	sadd.s32 s1, s30  }
0x32: {  	s0 =	sor.u32 s3, s0;
	s1 =	sshll.u32 s1, $0x11  }
0x33: {  	s0 =	sor.u32 s1, s0  }
0x34: {  	s0 =	sadd.s32 $0x8F2B, s0  }
0x35: {  	[sflag:s0] =	ssyncadd.remote.s32 $0x1  }
0x36: {  	_ =	sfence.sel $0xFFFF  }
0x37: {  	[dreg:$0x0] =	wrdreg $0xFFFFFFFF;
	(pc) =	sbr.abs _section_cstart, $3  }
0x38: {  	[dreg:$0x1] =	wrdreg $0xFFFFFFFF  }
0x39: {  	_ =	task.clear_ibuf [dreg:s7], $0x2FFFF;
	_ =	strace $0x9FFFFFFF  }
0x3a: {  	(tm) =	ssettm $0x7FFFFFFF  }
0x3b: {  	_ =	shalt  }
tec
execute0_lowered:
.L_overlay_start_1:
0x0: {  	(tag) =	ssettag $0x1  }
0x1: {  	s0 =	srdreg.scid  }
0x2: {  	s1 =	sshll.u32 s0, $0x4  }
0x3: {  	s0 =	stileid.u32;
	s1 =	sand.u32 $0x10, s1  }
0x4: {  	s1 =	sor.u32 s0, s1  }
0x5: {  	s6 =	rddreg [dreg:$0x0];
	s4 =	simm.s32 $0x1;
	s2 =	sshll.u32 s1, $0x7  }
0x6: {  	s7 =	simm.s32 $0x2;
	s12 =	simm.s32 $0x0;
	s1 =	ssub.s32 $0x4000, s2  }
0x7: {  	s8 =	simm.s32 $0x20000;
	s13 =	simm.s32 $0x0;
	s3 =	sand.u32 $0xF80, s1  }
0x8: {  	s9 =	simm.s32 $0x0;
	s5 =	sshrl.u32 s1, $0xC;
	p0 =	sne.s32 s3, $0x0  }
.Ltmp0:
0x9: {  	s1 =	rddreg [dreg:$0x2];
	s4 =	simm.s32 @!p0 $0x0;
	(pc) =	sbr.rel .LBB1_1-.Ltmp0, $4  }
0xa: {  	s11 =	simm.s32 $0x0;
	s3 =	rddreg [dreg:$0x1];
	s5 =	sadd.s32 s4, s5  }
0xb: {  	_ =	strace $0x8000004A;
	s4 =	simm.s32 $0x1;
	s5 =	smul.u32 $0x1A, s5  }
0xc: {  	s6 =	sadd.s32 $0xC00, s6;
	s10 =	smov.u32 s2;
	[sflag:s4] =	ssyncpa.u1 $0x0  }
0xd: {  	p0 =	por $0x0, $0x0;
	[sflag:s7] =	ssyncpa.u1 $0x0;
	s7 =	sor.u32 $0x1, s5  }
.LBB1_4:
0xe: {  	s16 =	sshll.u32 s13, $0x3;
	s17 =	sand.u32 $0x78, s13  }
0xf: {  	s30 =	sand.u32 $0xF800, s13;
	s12 =	sshll.u32 s12, $0x10;
	s16 =	sand.u32 $0x3C00, s16  }
0x10: {  	s31 =	sand.u32 $0x7, s13;
	s16 =	sor.u32 s17, s16;
	s17 =	sadd.s32 s3, s30  }
0x11: {  	s13 =	sshll.u32 s31, $0x12;
	s16 =	sshrl.u32 s16, $0x3;
	s12 =	sadd.s32 s12, s17  }
0x12: {  	[tilespmem:s15+$0x0 ss:$0x81] =	vst.msk $0xffff, v0;
	s13 =	sor.u32 $0x400, s13;
	s12 =	sadd.s32 s16, s12  }
0x13: {  	[hbm4b:s12+s13] =	stream.strided.scatter [tilespmem:s14], [sflag:$0x2], $0x1000, s8, s13, $0x20;
	[tilespmem:$0x4040] =	vst v63  }
.LBB1_5:
0x14: {  	s14 =	sadd.s32 $0x1, s9  }
0x15: {  	s12 =	sadd.s32 $0x1000, s10;
	s16 =	smov.u32 s10;
	p2 =	sgt.s32 s14, $0x19  }
0x16: {  	s16 =	smov.u32 @p2 s12  }
0x17: {  	s14 =	simm.s32 @p2 $0x0;
	p2 =	sgt.s32 s16, $0x3FFF  }
0x18: {  	s16 =	smov.u32 @p2 s2;
	p2 =	sne.s32 s11, s7  }
.Ltmp1:
0x19: {  	p1 =	slt.u32 s11, $0x2;
	(pc) =	sbr.rel @!p2 .LBB1_6-.Ltmp1, $4  }
0x1a: {  	s15 =	simm.s32 @!p1 $0x2  }
0x1b: {  	s13 =	smov.u32 s10;
	p0 =	por !p0, !p0;
	_ =	swait.ge @!p1 [sflag:s15], $0x1000  }
0x1c: {  	s12 =	smov.u32 s9;
	[sflag:s15] =	ssyncset.done @!p1 $0x0;
	s9 =	smov.u32 s14  }
0x1d: {  	s11 =	sadd.s32 $0x1, s11;
	[sflag:s15] =	ssyncadd.s32 @!p1 $0xFFFFF000;
	s10 =	smov.u32 s16  }
.LBB1_1:
0x1e: {  	p1 =	sge.u32 s11, s5  }
0x1f: {  	s31 =	sadd.s32 $0xFFFFFFFF, s11;
	s14 =	sxor.u32 @!p1 $0xFFFFFFFF, s11  }
0x20: {  	s15 =	sshll.u32 @!p1 s10, $0x9;
	s16 =	sshll.u32 @!p1 s9, $0x4;
	s17 =	simm.s32 @!p1 $0x1000  }
0x21: {  	s14 =	sshll.u32 @!p1 s14, $0xC;
	s16 =	sand.u32 @!p1 $0x1F0, s16;
	s15 =	sadd.s32 @!p1 s6, s15  }
0x22: {  	s14 =	sand.u32 @!p1 $0x1000, s14;
	s15 =	sadd.s32 @!p1 s16, s15;
	s16 =	simm.s32 @!p1 $0x20  }
0x23: {  	[tilespmem:s14], [sflag:$0x1] =	stream.strided.gather @!p1 [hbm4b:s15+s16], $0x1000, s17, s16, $0x38;
	[tilespmem:$0x4040] =	vst v63  }
0x24: {  	p1 =	sge.u32 s31, s5  }
.Ltmp2:
0x25: {  	_ = 	snop;
	(pc) =	sbr.rel @p1 .LBB1_5-.Ltmp2, $1  }
0x26: {  	_ =	sdelay $0x3  }
0x27: {  	s14 =	simm.s32 $0x1  }
0x28: {  	_ =	swait.ge [sflag:s4], $0x1000;
	s14 =	simm.s32 @!p0 $0x0  }
0x29: {  	[sflag:s4] =	ssyncset.done $0x0;
	s15 =	sshll.u32 s14, $0xC  }
0x2a: {  	[sflag:s4] =	ssyncadd.s32 $0xFFFFF000;
	s18 =	sor.u32 $0x10, s15  }
0x2b: {  	s14 =	smul.u32 $0x4080, s14;
	v1 =	vld [tilespmem:s18+$0x0]  }
0x2c: {  	s30 =	sand.u32 $0x1, s11;
	v0 =	vld [tilespmem:s18+$0xFFFFFFF0]  }
0x2d: {  	s15 =	smul.u32 $0x4080, s30;
	s14 =	sshrl.u32 s14, $0x2  }
0x2e: {  	s16 =	sor.u32 $0x2000, s14  }
0x2f: {  	s31 =	sshrl.u32 s15, $0x2;
	s15 =	sadd.s32 $0x0, s16  }
0x30: {  	s17 =	simm.s32 $0x4;
	s18 =	sadd.s32 $0x20, s18;
	s14 =	sor.u32 $0x2000, s31;
	[tilespmem:s15+$0x810 ss:$0x81] =	vst.msk $0xffff, v1  }
.LBB1_3:
0x31: {  	v1 =	vld [tilespmem:s18+$0x0];
	p1 =	sne.s32 s17, $0x1FC;
	[tilespmem:s15+$0x0 ss:$0x81] =	vst.msk $0xffff, v0;
	s15 =	smov.u32 s17;
	s17 =	sadd.s32 $0x4, s17  }
.Ltmp3:
0x32: {  	v0 =	vld [tilespmem:s18+$0xFFFFFFF0];
	(pc) =	sbr.rel @p1 .LBB1_3-.Ltmp3, $4  }
0x33: {  	_ = 	snop  }
0x34: {  	s15 =	sshra.s32 s15, $0x2  }
0x35: {  	s15 =	sadd.s32 s15, s16  }
0x36: {  	s18 =	sadd.s32 $0x20, s18;
	[tilespmem:s15+$0x810 ss:$0x81] =	vst.msk $0xffff, v1  }
.Ltmp4:
0x37: {  	_ = 	snop;
	(pc) =	sbr.rel .LBB1_4-.Ltmp4, $1  }
0x38: {  	_ =	sdelay $0x3  }
.LBB1_6:
0x39: {  	_ =	sfence.sel $0x180000  }
0x3a: {  	s2 =	simm.s32 $0x1;
	[bflag:$0x0] =	sbarrier.arrive $0xFFFF  }
0x3b: {  	s31 =	simm.s32 $0x2;
	[sflag:s2] =	ssyncpa.u1 $0x1  }
0x3c: {  	[sflag:s31] =	ssyncpa.u1 $0x1  }
0x3d: {  	p0 =	sne.s32 s0, $0x0;
	_ =	strace $0x9000004A  }
0x3e: {  	s0 =	sadd.s32 @!p0 $0x100000, s1;
	[bflag:$0x2] =	sbarrier.arrive $0xFFFF  }
0x3f: {  	[sflag:s0] =	ssyncadd.tile.s32 @!p0 $0x1;
	_ =	shalt  }
.Lfunc_end1:
_tile_overlayer_lowered:
.L_overlay_start_2:
0x40: {  	(tag) =	ssettag $0x2  }
0x41: {  	s0 =	rddreg [dreg:$0x0];
	s2 =	stileid.u32  }
0x42: {  	s1 =	rddreg [dreg:$0x1];
	p0 =	sne.s32 s2, $0x0  }
0x43: {  	s3 =	rddreg [dreg:$0x2];
	[bflag:$0x3] =	sbarrier.arrive $0xFFFF;
	s2 =	simm.s32 @!p0 $0x1C01  }
0x44: {  	[timem:s3], [sflag:s2] =	dma.local @!p0 [hbm:s0], s1  }
0x45: {  	s0 =	simm.s32 @!p0 $0x1  }
0x46: {  	_ =	swait.ge @!p0 [sflag:s0], s1  }
0x47: {  	s1 =	ssub.s32 @!p0 $0x0, s1;
	[sflag:s0] =	ssyncset.done @!p0 $0x0  }
0x48: {  	[sflag:s0] =	ssyncadd.s32 @!p0 s1  }
0x49: {  	[bflag:$0x3] =	sbarrier.arrive $0xFFFF  }
0x4a: {  	_ =	shalt  }

</sc_bundles>
